<compile_context>
chip_gen: v7x
topology: tpu7x:2x2x1
jax: 0.10.2.dev20260603
libtpu: 0.0.44.dev20260713+nightly
codegen_flags: <defaults>
</compile_context>

<pallas_src>
import functools

import jax
import jax.numpy as jnp
from jax import lax
from jax.experimental import pallas as pl
from jax.experimental.pallas import tpu as pltpu
from jax.experimental.pallas import tpu_sc as plsc

NUM_CLASSES = 100000
HIDDEN = 64
BATCH = 16384
VOCAB = NUM_CLASSES + 1
VMAIN = (VOCAB // 128) * 128
VTAIL = VOCAB - VMAIN

_info = plsc.get_sparse_core_info()
NC, NS, L = _info.num_cores, _info.num_subcores, _info.num_lanes
NW = NC * NS
ROWS_PER_W = HIDDEN // NW
BLK = 4096
NBLK = BATCH // BLK


def _make_kernel():
  mesh = plsc.VectorSubcoreMesh(core_axis_name="c", subcore_axis_name="s")

  @functools.partial(
      pl.kernel,
      mesh=mesh,
      out_type=jax.ShapeDtypeStruct((HIDDEN, BATCH), jnp.float32),
      compiler_params=pltpu.CompilerParams(needs_layout_passes=False),
      scratch_types=[
          pltpu.VMEM((8, 12544), jnp.float32),
          pltpu.VMEM((BATCH,), jnp.int32),
          pltpu.VMEM((2, BLK), jnp.float32),
          pltpu.SemaphoreType.DMA,
          pltpu.SemaphoreType.DMA,
          pltpu.SemaphoreType.DMA,
      ],
  )
  def col_gather(lab_hbm, tab_t_hbm, tail_t_hbm, out_t_hbm, row_v, lab_v,
                 out_v, sem_row, sem_lab, sem_out):
    del tail_t_hbm
    wid = lax.axis_index("s") * NC + lax.axis_index("c")

    def start_row(r):
      return [
          pltpu.async_copy(
              tab_t_hbm.at[pl.ds((wid % 8) * 8, 8),
                           pl.ds(((wid // 8) * 2 + r) * 12544, 12544)],
              row_v,
              sem_row,
          )
      ]

    lab_cp = pltpu.async_copy(lab_hbm, lab_v, sem_lab)
    row_cps = start_row(0)
    lab_cp.wait()
    for cp in row_cps:
      cp.wait()
    out_cps = [None, None]
    for r in range(ROWS_PER_W):
      h = wid * ROWS_PER_W + r
      for b in range(NBLK):
        buf = b % 2
        if out_cps[buf] is not None:
          out_cps[buf].wait()

        @plsc.parallel_loop(0, BLK // L, unroll=8)
        def body(i):
          idx = lab_v[pl.ds(b * BLK + i * L, L)]
          i0 = lax.shift_right_logical(idx, 13) & 7
          i1 = idx & 8191
          out_v[buf, pl.ds(i * L, L)] = plsc.load_gather(row_v, [i0, i1])

        out_cps[buf] = pltpu.async_copy(
            out_v.at[buf], out_t_hbm.at[h, pl.ds(b * BLK, BLK)], sem_out
        )
      if r + 1 < ROWS_PER_W:
        for cp in start_row(r + 1):
          cp.wait()
    for cp in out_cps:
      cp.wait()

  return col_gather


_gather = _make_kernel()


@jax.jit
def kernel(labels, embedding_table):
  tab_t = embedding_table.T
  tail_t = jnp.pad(lax.slice(tab_t, (0, VMAIN), (HIDDEN, VOCAB)),
                   ((0, 0), (0, 128 - VTAIL)))
  out_t = _gather(jnp.asarray(labels, jnp.int32), tab_t, tail_t)
  return out_t.T

# --- scband reference (transcript-rebuilt; emitter-appended) ---
"""Pipeline reference for scband-label-embedder-29025388986534 (READ-ONLY COPY).

The authoritative reference and input builder live on the scoring server;
editing this copy changes nothing except your own understanding.
"""

import jax, jax.numpy as jnp
import numpy as np

NUM_CLASSES = 100000
HIDDEN_SIZE = 64
BATCH = 16384

def setup_inputs(seed: int = 0) -> dict:
    key = jax.random.key(seed)
    k_lab, k_tab = jax.random.split(key)
    labels = jax.random.randint(k_lab, (BATCH,), 0, NUM_CLASSES, dtype=jnp.int64 if jax.config.jax_enable_x64 else jnp.int32)
    # embedding table: (num_classes + 1, hidden_size), init normal(0, 0.02)
    embedding_table = jax.random.normal(k_tab, (NUM_CLASSES + 1, HIDDEN_SIZE), dtype=jnp.float32) * 0.02
    return {"labels": labels, "embedding_table": embedding_table}

def reference(labels, embedding_table):
    # LabelEmbedder.forward: embeddings = self.embedding_table(labels)
    embeddings = jnp.take(embedding_table, labels, axis=0)
    return embeddings

if __name__ == "__main__":
    import jax
    _d = setup_inputs()
    print(jax.jit(kernel)(*tuple(_d.values())))

</pallas_src>

<mosaic_0001>
#map = affine_map<(d0, d1) -> (0)>
#map1 = affine_map<(d0, d1) -> (0, 0)>
module attributes {stable_mosaic.version = 14 : i64} {
  func.func @col_gather(%arg0: i32, %arg1: i32, %arg2: memref<16384xi32, #tpu.memory_space<hbm>>, %arg3: memref<64x100001xf32, #tpu.memory_space<hbm>>, %arg4: memref<64x128xf32, #tpu.memory_space<hbm>>, %arg5: memref<64x16384xf32, #tpu.memory_space<hbm>>, %arg6: memref<8x12544xf32, #tpu.memory_space<vmem>>, %arg7: memref<16384xi32, #tpu.memory_space<vmem>>, %arg8: memref<2x4096xf32, #tpu.memory_space<vmem>>, %arg9: memref<!tpu.dma_semaphore, #tpu.memory_space<semaphore_mem>>, %arg10: memref<!tpu.dma_semaphore, #tpu.memory_space<semaphore_mem>>, %arg11: memref<!tpu.dma_semaphore, #tpu.memory_space<semaphore_mem>>) attributes {dimension_semantics = [#tpu.dimension_semantics<core_parallel>, #tpu.dimension_semantics<subcore_parallel>], iteration_bounds = array<i64: 2, 16>, scalar_prefetch = 0 : i64, scratch_operands = 6 : i64, tpu.core_type = #tpu.core_type<sc_vector_subcore>, window_params = [{transform_indices = #map}, {transform_indices = #map1}, {transform_indices = #map1}, {transform_indices = #map1}]} {
    %mul3A = arith.constant 2 : i32
    %mul3A_0 = arith.muli %arg1, %mul3A : i32
    %add3A = arith.addi %mul3A_0, %arg0 : i32
    tpu.enqueue_dma source(%arg2 : memref<16384xi32, #tpu.memory_space<hbm>>) target(%arg7 : memref<16384xi32, #tpu.memory_space<vmem>>) target_semaphore(%arg10 : memref<!tpu.dma_semaphore, #tpu.memory_space<semaphore_mem>>)
    %jit3A = arith.constant 8 : i32
    %eq3A = arith.constant 0 : i32
    %eq3A_1 = arith.cmpi eq, %jit3A, %eq3A : i32
    %jit3A_2 = arith.constant 1 : i32
    %select_n3A = arith.select %eq3A_1, %jit3A_2, %jit3A : i32
    %rem3A = arith.remsi %add3A, %select_n3A : i32
    %ne3A = arith.constant 0 : i32
    %ne3A_3 = arith.cmpi ne, %rem3A, %ne3A : i32
    %lt3A = arith.constant 0 : i32
    %lt3A_4 = arith.cmpi slt, %rem3A, %lt3A : i32
    %lt3A_5 = arith.constant 0 : i32
    %lt3A_6 = arith.cmpi slt, %select_n3A, %lt3A_5 : i32
    %ne3A_7 = arith.xori %lt3A_4, %lt3A_6 : i1
    %and3A = arith.andi %ne3A_7, %ne3A_3 : i1
    %add3A_8 = arith.addi %rem3A, %select_n3A : i32
    %select_n3A_9 = arith.select %and3A, %add3A_8, %rem3A : i32
    %mul3A_10 = arith.constant 8 : i32
    %mul3A_11 = arith.muli %select_n3A_9, %mul3A_10 : i32
    %jit3A_12 = arith.constant 8 : i32
    %div3A = arith.divsi %add3A, %jit3A_12 : i32
    %sign3A = arith.constant 0 : i32
    %sign3A_13 = arith.cmpi sgt, %add3A, %sign3A : i32
    %sign3A_14 = arith.extui %sign3A_13 : i1 to i32
    %sign3A_15 = arith.constant 0 : i32
    %sign3A_16 = arith.cmpi slt, %add3A, %sign3A_15 : i32
    %sign3A_17 = arith.extui %sign3A_16 : i1 to i32
    %sign3A_18 = arith.subi %sign3A_14, %sign3A_17 : i32
    %sign3A_19 = arith.constant 0 : i32
    %sign3A_20 = arith.cmpi sgt, %jit3A_12, %sign3A_19 : i32
    %sign3A_21 = arith.extui %sign3A_20 : i1 to i32
    %sign3A_22 = arith.constant 0 : i32
    %sign3A_23 = arith.cmpi slt, %jit3A_12, %sign3A_22 : i32
    %sign3A_24 = arith.extui %sign3A_23 : i1 to i32
    %sign3A_25 = arith.subi %sign3A_21, %sign3A_24 : i32
    %ne3A_26 = arith.cmpi ne, %sign3A_18, %sign3A_25 : i32
    %rem3A_27 = arith.remsi %add3A, %jit3A_12 : i32
    %ne3A_28 = arith.constant 0 : i32
    %ne3A_29 = arith.cmpi ne, %rem3A_27, %ne3A_28 : i32
    %and3A_30 = arith.andi %ne3A_26, %ne3A_29 : i1
    %sub3A = arith.constant 1 : i32
    %sub3A_31 = arith.subi %div3A, %sub3A : i32
    %select_n3A_32 = arith.select %and3A_30, %sub3A_31, %div3A : i32
    %mul3A_33 = arith.constant 2 : i32
    %mul3A_34 = arith.muli %select_n3A_32, %mul3A_33 : i32
    %add3A_35 = arith.constant 0 : i32
    %add3A_36 = arith.addi %mul3A_34, %add3A_35 : i32
    %mul3A_37 = arith.constant 12544 : i32
    %mul3A_38 = arith.muli %add3A_36, %mul3A_37 : i32
    %dma_start3A = tpu.memref_slice %arg3[%mul3A_11, %mul3A_38] : memref<64x100001xf32, #tpu.memory_space<hbm>> -> memref<8x12544xf32, #tpu.memory_space<hbm>>
    %dma_start3A_39 = tpu.memref_slice %arg3[%mul3A_11, %mul3A_38] : memref<64x100001xf32, #tpu.memory_space<hbm>> -> memref<8x12544xf32, #tpu.memory_space<hbm>>
    tpu.enqueue_dma source(%dma_start3A_39 : memref<8x12544xf32, #tpu.memory_space<hbm>>) target(%arg6 : memref<8x12544xf32, #tpu.memory_space<vmem>>) target_semaphore(%arg9 : memref<!tpu.dma_semaphore, #tpu.memory_space<semaphore_mem>>)
    tpu.wait_dma2 semaphore(%arg10 : memref<!tpu.dma_semaphore, #tpu.memory_space<semaphore_mem>>) src(%arg2 : memref<16384xi32, #tpu.memory_space<hbm>>) dst(%arg7 : memref<16384xi32, #tpu.memory_space<vmem>>)
    %dma_wait3A = tpu.memref_slice %arg3[%mul3A_11, %mul3A_38] : memref<64x100001xf32, #tpu.memory_space<hbm>> -> memref<8x12544xf32, #tpu.memory_space<hbm>>
    %dma_wait3A_40 = tpu.memref_slice %arg3[%mul3A_11, %mul3A_38] : memref<64x100001xf32, #tpu.memory_space<hbm>> -> memref<8x12544xf32, #tpu.memory_space<hbm>>
    tpu.wait_dma2 semaphore(%arg9 : memref<!tpu.dma_semaphore, #tpu.memory_space<semaphore_mem>>) src(%dma_wait3A_40 : memref<8x12544xf32, #tpu.memory_space<hbm>>) dst(%arg6 : memref<8x12544xf32, #tpu.memory_space<vmem>>)
    %mul3A_41 = arith.constant 2 : i32
    %mul3A_42 = arith.muli %add3A, %mul3A_41 : i32
    %add3A_43 = arith.constant 0 : i32
    %add3A_44 = arith.addi %mul3A_42, %add3A_43 : i32
    %parallel_loop3A = arith.constant 0 : i32
    %parallel_loop3A_45 = arith.constant 256 : i32
    %parallel_loop3A_46 = arith.constant 1 : i32
    scf.for %parallel_loop3A_332 = %parallel_loop3A to %parallel_loop3A_45 step %parallel_loop3A_46  : i32 {
      %parallel_loop3A_333 = arith.constant 16 : i32
      %parallel_loop3A_334 = arith.muli %parallel_loop3A_332, %parallel_loop3A_333 : i32
      %parallel_loop3A_335 = arith.constant 0 : i32
      %parallel_loop3A_336 = arith.addi %parallel_loop3A_335, %parallel_loop3A_334 : i32
      %parallel_loop3A_337 = arith.index_cast %parallel_loop3A_336 : i32 to index
      %parallel_loop3A_338 = tpu.vector_load %arg7[%parallel_loop3A_337] {strides = array<i32>} : memref<16384xi32, #tpu.memory_space<vmem>>, vector<16xi32>,
      %parallel_loop3A_339 = arith.constant 13 : i32
      %parallel_loop3A_340 = vector.broadcast %parallel_loop3A_339 : i32 to vector<16xi32>
      %parallel_loop3A_341 = arith.shrui %parallel_loop3A_338, %parallel_loop3A_340 : vector<16xi32>
      %parallel_loop3A_342 = arith.constant 7 : i32
      %parallel_loop3A_343 = vector.broadcast %parallel_loop3A_342 : i32 to vector<16xi32>
      %parallel_loop3A_344 = arith.andi %parallel_loop3A_341, %parallel_loop3A_343 : vector<16xi32>
      %parallel_loop3A_345 = arith.constant 8191 : i32
      %parallel_loop3A_346 = vector.broadcast %parallel_loop3A_345 : i32 to vector<16xi32>
      %parallel_loop3A_347 = arith.andi %parallel_loop3A_338, %parallel_loop3A_346 : vector<16xi32>
      %parallel_loop3A_348 = tpu.vector_load_idx %arg6[%parallel_loop3A_344, %parallel_loop3A_347] : memref<8x12544xf32, #tpu.memory_space<vmem>>[vector<16xi32>, vector<16xi32>], vector<16xf32>,
      %parallel_loop3A_349 = arith.constant 16 : i32
      %parallel_loop3A_350 = arith.muli %parallel_loop3A_332, %parallel_loop3A_349 : i32
      %parallel_loop3A_351 = arith.constant 0 : i32
      %parallel_loop3A_352 = arith.index_cast %parallel_loop3A_351 : i32 to index
      %parallel_loop3A_353 = arith.index_cast %parallel_loop3A_350 : i32 to index
      %parallel_loop3A_354 = tpu.vector_load %arg8[%parallel_loop3A_352, %parallel_loop3A_353] {strides = array<i32>} : memref<2x4096xf32, #tpu.memory_space<vmem>>, vector<16xf32>,
      tpu.vector_store %arg8[%parallel_loop3A_352, %parallel_loop3A_353], %parallel_loop3A_348 {strides = array<i32>} : memref<2x4096xf32, #tpu.memory_space<vmem>>, vector<16xf32>,
    } {sc.loop_unroll_factor = 8 : i64, sc.parallel_access}
    %dma_start3A_47 = arith.constant 0 : i32
    %dma_start3A_48 = arith.constant 0 : i32
    %dma_start3A_49 = tpu.memref_slice %arg8[%dma_start3A_47, %dma_start3A_48] : memref<2x4096xf32, #tpu.memory_space<vmem>> -> memref<1x4096xf32, #tpu.memory_space<vmem>>
    %dma_start3A_50 = tpu.memref_squeeze %dma_start3A_49 : memref<1x4096xf32, #tpu.memory_space<vmem>> -> memref<4096xf32, #tpu.memory_space<vmem>>
    %dma_start3A_51 = arith.constant 0 : i32
    %dma_start3A_52 = tpu.memref_slice %arg5[%add3A_44, %dma_start3A_51] : memref<64x16384xf32, #tpu.memory_space<hbm>> -> memref<1x4096xf32, #tpu.memory_space<hbm>>
    %dma_start3A_53 = tpu.memref_squeeze %dma_start3A_52 : memref<1x4096xf32, #tpu.memory_space<hbm>> -> memref<4096xf32, #tpu.memory_space<hbm>>
    %dma_start3A_54 = arith.constant 0 : i32
    %dma_start3A_55 = tpu.memref_slice %arg5[%add3A_44, %dma_start3A_54] : memref<64x16384xf32, #tpu.memory_space<hbm>> -> memref<1x4096xf32, #tpu.memory_space<hbm>>
    %dma_start3A_56 = tpu.memref_squeeze %dma_start3A_55 : memref<1x4096xf32, #tpu.memory_space<hbm>> -> memref<4096xf32, #tpu.memory_space<hbm>>
    %dma_start3A_57 = arith.constant 0 : i32
    %dma_start3A_58 = tpu.memref_slice %arg8[%dma_start3A_47, %dma_start3A_57] : memref<2x4096xf32, #tpu.memory_space<vmem>> -> memref<1x4096xf32, #tpu.memory_space<vmem>>
    %dma_start3A_59 = tpu.memref_squeeze %dma_start3A_58 : memref<1x4096xf32, #tpu.memory_space<vmem>> -> memref<4096xf32, #tpu.memory_space<vmem>>
    tpu.enqueue_dma source(%dma_start3A_59 : memref<4096xf32, #tpu.memory_space<vmem>>) target(%dma_start3A_56 : memref<4096xf32, #tpu.memory_space<hbm>>) target_semaphore(%arg11 : memref<!tpu.dma_semaphore, #tpu.memory_space<semaphore_mem>>)
    %parallel_loop3A_60 = arith.constant 0 : i32
    %parallel_loop3A_61 = arith.constant 256 : i32
    %parallel_loop3A_62 = arith.constant 1 : i32
    scf.for %parallel_loop3A_332 = %parallel_loop3A_60 to %parallel_loop3A_61 step %parallel_loop3A_62  : i32 {
      %parallel_loop3A_333 = arith.constant 16 : i32
      %parallel_loop3A_334 = arith.muli %parallel_loop3A_332, %parallel_loop3A_333 : i32
      %parallel_loop3A_335 = arith.constant 4096 : i32
      %parallel_loop3A_336 = arith.addi %parallel_loop3A_335, %parallel_loop3A_334 : i32
      %parallel_loop3A_337 = arith.index_cast %parallel_loop3A_336 : i32 to index
      %parallel_loop3A_338 = tpu.vector_load %arg7[%parallel_loop3A_337] {strides = array<i32>} : memref<16384xi32, #tpu.memory_space<vmem>>, vector<16xi32>,
      %parallel_loop3A_339 = arith.constant 13 : i32
      %parallel_loop3A_340 = vector.broadcast %parallel_loop3A_339 : i32 to vector<16xi32>
      %parallel_loop3A_341 = arith.shrui %parallel_loop3A_338, %parallel_loop3A_340 : vector<16xi32>
      %parallel_loop3A_342 = arith.constant 7 : i32
      %parallel_loop3A_343 = vector.broadcast %parallel_loop3A_342 : i32 to vector<16xi32>
      %parallel_loop3A_344 = arith.andi %parallel_loop3A_341, %parallel_loop3A_343 : vector<16xi32>
      %parallel_loop3A_345 = arith.constant 8191 : i32
      %parallel_loop3A_346 = vector.broadcast %parallel_loop3A_345 : i32 to vector<16xi32>
      %parallel_loop3A_347 = arith.andi %parallel_loop3A_338, %parallel_loop3A_346 : vector<16xi32>
      %parallel_loop3A_348 = tpu.vector_load_idx %arg6[%parallel_loop3A_344, %parallel_loop3A_347] : memref<8x12544xf32, #tpu.memory_space<vmem>>[vector<16xi32>, vector<16xi32>], vector<16xf32>,
      %parallel_loop3A_349 = arith.constant 16 : i32
      %parallel_loop3A_350 = arith.muli %parallel_loop3A_332, %parallel_loop3A_349 : i32
      %parallel_loop3A_351 = arith.constant 1 : i32
      %parallel_loop3A_352 = arith.index_cast %parallel_loop3A_351 : i32 to index
      %parallel_loop3A_353 = arith.index_cast %parallel_loop3A_350 : i32 to index
      %parallel_loop3A_354 = tpu.vector_load %arg8[%parallel_loop3A_352, %parallel_loop3A_353] {strides = array<i32>} : memref<2x4096xf32, #tpu.memory_space<vmem>>, vector<16xf32>,
      tpu.vector_store %arg8[%parallel_loop3A_352, %parallel_loop3A_353], %parallel_loop3A_348 {strides = array<i32>} : memref<2x4096xf32, #tpu.memory_space<vmem>>, vector<16xf32>,
    } {sc.loop_unroll_factor = 8 : i64, sc.parallel_access}
    %dma_start3A_63 = arith.constant 1 : i32
    %dma_start3A_64 = arith.constant 0 : i32
    %dma_start3A_65 = tpu.memref_slice %arg8[%dma_start3A_63, %dma_start3A_64] : memref<2x4096xf32, #tpu.memory_space<vmem>> -> memref<1x4096xf32, #tpu.memory_space<vmem>>
    %dma_start3A_66 = tpu.memref_squeeze %dma_start3A_65 : memref<1x4096xf32, #tpu.memory_space<vmem>> -> memref<4096xf32, #tpu.memory_space<vmem>>
    %dma_start3A_67 = arith.constant 4096 : i32
    %dma_start3A_68 = tpu.memref_slice %arg5[%add3A_44, %dma_start3A_67] : memref<64x16384xf32, #tpu.memory_space<hbm>> -> memref<1x4096xf32, #tpu.memory_space<hbm>>
    %dma_start3A_69 = tpu.memref_squeeze %dma_start3A_68 : memref<1x4096xf32, #tpu.memory_space<hbm>> -> memref<4096xf32, #tpu.memory_space<hbm>>
    %dma_start3A_70 = arith.constant 4096 : i32
    %dma_start3A_71 = tpu.memref_slice %arg5[%add3A_44, %dma_start3A_70] : memref<64x16384xf32, #tpu.memory_space<hbm>> -> memref<1x4096xf32, #tpu.memory_space<hbm>>
    %dma_start3A_72 = tpu.memref_squeeze %dma_start3A_71 : memref<1x4096xf32, #tpu.memory_space<hbm>> -> memref<4096xf32, #tpu.memory_space<hbm>>
    %dma_start3A_73 = arith.constant 0 : i32
    %dma_start3A_74 = tpu.memref_slice %arg8[%dma_start3A_63, %dma_start3A_73] : memref<2x4096xf32, #tpu.memory_space<vmem>> -> memref<1x4096xf32, #tpu.memory_space<vmem>>
    %dma_start3A_75 = tpu.memref_squeeze %dma_start3A_74 : memref<1x4096xf32, #tpu.memory_space<vmem>> -> memref<4096xf32, #tpu.memory_space<vmem>>
    tpu.enqueue_dma source(%dma_start3A_75 : memref<4096xf32, #tpu.memory_space<vmem>>) target(%dma_start3A_72 : memref<4096xf32, #tpu.memory_space<hbm>>) target_semaphore(%arg11 : memref<!tpu.dma_semaphore, #tpu.memory_space<semaphore_mem>>)
    %dma_wait3A_76 = arith.constant 0 : i32
    %dma_wait3A_77 = arith.constant 0 : i32
    %dma_wait3A_78 = tpu.memref_slice %arg8[%dma_wait3A_76, %dma_wait3A_77] : memref<2x4096xf32, #tpu.memory_space<vmem>> -> memref<1x4096xf32, #tpu.memory_space<vmem>>
    %dma_wait3A_79 = tpu.memref_squeeze %dma_wait3A_78 : memref<1x4096xf32, #tpu.memory_space<vmem>> -> memref<4096xf32, #tpu.memory_space<vmem>>
    %dma_wait3A_80 = arith.constant 0 : i32
    %dma_wait3A_81 = tpu.memref_slice %arg5[%add3A_44, %dma_wait3A_80] : memref<64x16384xf32, #tpu.memory_space<hbm>> -> memref<1x4096xf32, #tpu.memory_space<hbm>>
    %dma_wait3A_82 = tpu.memref_squeeze %dma_wait3A_81 : memref<1x4096xf32, #tpu.memory_space<hbm>> -> memref<4096xf32, #tpu.memory_space<hbm>>
    %dma_wait3A_83 = arith.constant 0 : i32
    %dma_wait3A_84 = tpu.memref_slice %arg5[%add3A_44, %dma_wait3A_83] : memref<64x16384xf32, #tpu.memory_space<hbm>> -> memref<1x4096xf32, #tpu.memory_space<hbm>>
    %dma_wait3A_85 = tpu.memref_squeeze %dma_wait3A_84 : memref<1x4096xf32, #tpu.memory_space<hbm>> -> memref<4096xf32, #tpu.memory_space<hbm>>
    %dma_wait3A_86 = arith.constant 0 : i32
    %dma_wait3A_87 = tpu.memref_slice %arg8[%dma_wait3A_76, %dma_wait3A_86] : memref<2x4096xf32, #tpu.memory_space<vmem>> -> memref<1x4096xf32, #tpu.memory_space<vmem>>
    %dma_wait3A_88 = tpu.memref_squeeze %dma_wait3A_87 : memref<1x4096xf32, #tpu.memory_space<vmem>> -> memref<4096xf32, #tpu.memory_space<vmem>>
    tpu.wait_dma2 semaphore(%arg11 : memref<!tpu.dma_semaphore, #tpu.memory_space<semaphore_mem>>) src(%dma_wait3A_88 : memref<4096xf32, #tpu.memory_space<vmem>>) dst(%dma_wait3A_85 : memref<4096xf32, #tpu.memory_space<hbm>>)
    %parallel_loop3A_89 = arith.constant 0 : i32
    %parallel_loop3A_90 = arith.constant 256 : i32
    %parallel_loop3A_91 = arith.constant 1 : i32
    scf.for %parallel_loop3A_332 = %parallel_loop3A_89 to %parallel_loop3A_90 step %parallel_loop3A_91  : i32 {
      %parallel_loop3A_333 = arith.constant 16 : i32
      %parallel_loop3A_334 = arith.muli %parallel_loop3A_332, %parallel_loop3A_333 : i32
      %parallel_loop3A_335 = arith.constant 8192 : i32
      %parallel_loop3A_336 = arith.addi %parallel_loop3A_335, %parallel_loop3A_334 : i32
      %parallel_loop3A_337 = arith.index_cast %parallel_loop3A_336 : i32 to index
      %parallel_loop3A_338 = tpu.vector_load %arg7[%parallel_loop3A_337] {strides = array<i32>} : memref<16384xi32, #tpu.memory_space<vmem>>, vector<16xi32>,
      %parallel_loop3A_339 = arith.constant 13 : i32
      %parallel_loop3A_340 = vector.broadcast %parallel_loop3A_339 : i32 to vector<16xi32>
      %parallel_loop3A_341 = arith.shrui %parallel_loop3A_338, %parallel_loop3A_340 : vector<16xi32>
      %parallel_loop3A_342 = arith.constant 7 : i32
      %parallel_loop3A_343 = vector.broadcast %parallel_loop3A_342 : i32 to vector<16xi32>
      %parallel_loop3A_344 = arith.andi %parallel_loop3A_341, %parallel_loop3A_343 : vector<16xi32>
      %parallel_loop3A_345 = arith.constant 8191 : i32
      %parallel_loop3A_346 = vector.broadcast %parallel_loop3A_345 : i32 to vector<16xi32>
      %parallel_loop3A_347 = arith.andi %parallel_loop3A_338, %parallel_loop3A_346 : vector<16xi32>
      %parallel_loop3A_348 = tpu.vector_load_idx %arg6[%parallel_loop3A_344, %parallel_loop3A_347] : memref<8x12544xf32, #tpu.memory_space<vmem>>[vector<16xi32>, vector<16xi32>], vector<16xf32>,
      %parallel_loop3A_349 = arith.constant 16 : i32
      %parallel_loop3A_350 = arith.muli %parallel_loop3A_332, %parallel_loop3A_349 : i32
      %parallel_loop3A_351 = arith.constant 0 : i32
      %parallel_loop3A_352 = arith.index_cast %parallel_loop3A_351 : i32 to index
      %parallel_loop3A_353 = arith.index_cast %parallel_loop3A_350 : i32 to index
      %parallel_loop3A_354 = tpu.vector_load %arg8[%parallel_loop3A_352, %parallel_loop3A_353] {strides = array<i32>} : memref<2x4096xf32, #tpu.memory_space<vmem>>, vector<16xf32>,
      tpu.vector_store %arg8[%parallel_loop3A_352, %parallel_loop3A_353], %parallel_loop3A_348 {strides = array<i32>} : memref<2x4096xf32, #tpu.memory_space<vmem>>, vector<16xf32>,
    } {sc.loop_unroll_factor = 8 : i64, sc.parallel_access}
    %dma_start3A_92 = arith.constant 0 : i32
    %dma_start3A_93 = arith.constant 0 : i32
    %dma_start3A_94 = tpu.memref_slice %arg8[%dma_start3A_92, %dma_start3A_93] : memref<2x4096xf32, #tpu.memory_space<vmem>> -> memref<1x4096xf32, #tpu.memory_space<vmem>>
    %dma_start3A_95 = tpu.memref_squeeze %dma_start3A_94 : memref<1x4096xf32, #tpu.memory_space<vmem>> -> memref<4096xf32, #tpu.memory_space<vmem>>
    %dma_start3A_96 = arith.constant 8192 : i32
    %dma_start3A_97 = tpu.memref_slice %arg5[%add3A_44, %dma_start3A_96] : memref<64x16384xf32, #tpu.memory_space<hbm>> -> memref<1x4096xf32, #tpu.memory_space<hbm>>
    %dma_start3A_98 = tpu.memref_squeeze %dma_start3A_97 : memref<1x4096xf32, #tpu.memory_space<hbm>> -> memref<4096xf32, #tpu.memory_space<hbm>>
    %dma_start3A_99 = arith.constant 8192 : i32
    %dma_start3A_100 = tpu.memref_slice %arg5[%add3A_44, %dma_start3A_99] : memref<64x16384xf32, #tpu.memory_space<hbm>> -> memref<1x4096xf32, #tpu.memory_space<hbm>>
    %dma_start3A_101 = tpu.memref_squeeze %dma_start3A_100 : memref<1x4096xf32, #tpu.memory_space<hbm>> -> memref<4096xf32, #tpu.memory_space<hbm>>
    %dma_start3A_102 = arith.constant 0 : i32
    %dma_start3A_103 = tpu.memref_slice %arg8[%dma_start3A_92, %dma_start3A_102] : memref<2x4096xf32, #tpu.memory_space<vmem>> -> memref<1x4096xf32, #tpu.memory_space<vmem>>
    %dma_start3A_104 = tpu.memref_squeeze %dma_start3A_103 : memref<1x4096xf32, #tpu.memory_space<vmem>> -> memref<4096xf32, #tpu.memory_space<vmem>>
    tpu.enqueue_dma source(%dma_start3A_104 : memref<4096xf32, #tpu.memory_space<vmem>>) target(%dma_start3A_101 : memref<4096xf32, #tpu.memory_space<hbm>>) target_semaphore(%arg11 : memref<!tpu.dma_semaphore, #tpu.memory_space<semaphore_mem>>)
    %dma_wait3A_105 = arith.constant 1 : i32
    %dma_wait3A_106 = arith.constant 0 : i32
    %dma_wait3A_107 = tpu.memref_slice %arg8[%dma_wait3A_105, %dma_wait3A_106] : memref<2x4096xf32, #tpu.memory_space<vmem>> -> memref<1x4096xf32, #tpu.memory_space<vmem>>
    %dma_wait3A_108 = tpu.memref_squeeze %dma_wait3A_107 : memref<1x4096xf32, #tpu.memory_space<vmem>> -> memref<4096xf32, #tpu.memory_space<vmem>>
    %dma_wait3A_109 = arith.constant 4096 : i32
    %dma_wait3A_110 = tpu.memref_slice %arg5[%add3A_44, %dma_wait3A_109] : memref<64x16384xf32, #tpu.memory_space<hbm>> -> memref<1x4096xf32, #tpu.memory_space<hbm>>
    %dma_wait3A_111 = tpu.memref_squeeze %dma_wait3A_110 : memref<1x4096xf32, #tpu.memory_space<hbm>> -> memref<4096xf32, #tpu.memory_space<hbm>>
    %dma_wait3A_112 = arith.constant 4096 : i32
    %dma_wait3A_113 = tpu.memref_slice %arg5[%add3A_44, %dma_wait3A_112] : memref<64x16384xf32, #tpu.memory_space<hbm>> -> memref<1x4096xf32, #tpu.memory_space<hbm>>
    %dma_wait3A_114 = tpu.memref_squeeze %dma_wait3A_113 : memref<1x4096xf32, #tpu.memory_space<hbm>> -> memref<4096xf32, #tpu.memory_space<hbm>>
    %dma_wait3A_115 = arith.constant 0 : i32
    %dma_wait3A_116 = tpu.memref_slice %arg8[%dma_wait3A_105, %dma_wait3A_115] : memref<2x4096xf32, #tpu.memory_space<vmem>> -> memref<1x4096xf32, #tpu.memory_space<vmem>>
    %dma_wait3A_117 = tpu.memref_squeeze %dma_wait3A_116 : memref<1x4096xf32, #tpu.memory_space<vmem>> -> memref<4096xf32, #tpu.memory_space<vmem>>
    tpu.wait_dma2 semaphore(%arg11 : memref<!tpu.dma_semaphore, #tpu.memory_space<semaphore_mem>>) src(%dma_wait3A_117 : memref<4096xf32, #tpu.memory_space<vmem>>) dst(%dma_wait3A_114 : memref<4096xf32, #tpu.memory_space<hbm>>)
    %parallel_loop3A_118 = arith.constant 0 : i32
    %parallel_loop3A_119 = arith.constant 256 : i32
    %parallel_loop3A_120 = arith.constant 1 : i32
    scf.for %parallel_loop3A_332 = %parallel_loop3A_118 to %parallel_loop3A_119 step %parallel_loop3A_120  : i32 {
      %parallel_loop3A_333 = arith.constant 16 : i32
      %parallel_loop3A_334 = arith.muli %parallel_loop3A_332, %parallel_loop3A_333 : i32
      %parallel_loop3A_335 = arith.constant 12288 : i32
      %parallel_loop3A_336 = arith.addi %parallel_loop3A_335, %parallel_loop3A_334 : i32
      %parallel_loop3A_337 = arith.index_cast %parallel_loop3A_336 : i32 to index
      %parallel_loop3A_338 = tpu.vector_load %arg7[%parallel_loop3A_337] {strides = array<i32>} : memref<16384xi32, #tpu.memory_space<vmem>>, vector<16xi32>,
      %parallel_loop3A_339 = arith.constant 13 : i32
      %parallel_loop3A_340 = vector.broadcast %parallel_loop3A_339 : i32 to vector<16xi32>
      %parallel_loop3A_341 = arith.shrui %parallel_loop3A_338, %parallel_loop3A_340 : vector<16xi32>
      %parallel_loop3A_342 = arith.constant 7 : i32
      %parallel_loop3A_343 = vector.broadcast %parallel_loop3A_342 : i32 to vector<16xi32>
      %parallel_loop3A_344 = arith.andi %parallel_loop3A_341, %parallel_loop3A_343 : vector<16xi32>
      %parallel_loop3A_345 = arith.constant 8191 : i32
      %parallel_loop3A_346 = vector.broadcast %parallel_loop3A_345 : i32 to vector<16xi32>
      %parallel_loop3A_347 = arith.andi %parallel_loop3A_338, %parallel_loop3A_346 : vector<16xi32>
      %parallel_loop3A_348 = tpu.vector_load_idx %arg6[%parallel_loop3A_344, %parallel_loop3A_347] : memref<8x12544xf32, #tpu.memory_space<vmem>>[vector<16xi32>, vector<16xi32>], vector<16xf32>,
      %parallel_loop3A_349 = arith.constant 16 : i32
      %parallel_loop3A_350 = arith.muli %parallel_loop3A_332, %parallel_loop3A_349 : i32
      %parallel_loop3A_351 = arith.constant 1 : i32
      %parallel_loop3A_352 = arith.index_cast %parallel_loop3A_351 : i32 to index
      %parallel_loop3A_353 = arith.index_cast %parallel_loop3A_350 : i32 to index
      %parallel_loop3A_354 = tpu.vector_load %arg8[%parallel_loop3A_352, %parallel_loop3A_353] {strides = array<i32>} : memref<2x4096xf32, #tpu.memory_space<vmem>>, vector<16xf32>,
      tpu.vector_store %arg8[%parallel_loop3A_352, %parallel_loop3A_353], %parallel_loop3A_348 {strides = array<i32>} : memref<2x4096xf32, #tpu.memory_space<vmem>>, vector<16xf32>,
    } {sc.loop_unroll_factor = 8 : i64, sc.parallel_access}
    %dma_start3A_121 = arith.constant 1 : i32
    %dma_start3A_122 = arith.constant 0 : i32
    %dma_start3A_123 = tpu.memref_slice %arg8[%dma_start3A_121, %dma_start3A_122] : memref<2x4096xf32, #tpu.memory_space<vmem>> -> memref<1x4096xf32, #tpu.memory_space<vmem>>
    %dma_start3A_124 = tpu.memref_squeeze %dma_start3A_123 : memref<1x4096xf32, #tpu.memory_space<vmem>> -> memref<4096xf32, #tpu.memory_space<vmem>>
    %dma_start3A_125 = arith.constant 12288 : i32
    %dma_start3A_126 = tpu.memref_slice %arg5[%add3A_44, %dma_start3A_125] : memref<64x16384xf32, #tpu.memory_space<hbm>> -> memref<1x4096xf32, #tpu.memory_space<hbm>>
    %dma_start3A_127 = tpu.memref_squeeze %dma_start3A_126 : memref<1x4096xf32, #tpu.memory_space<hbm>> -> memref<4096xf32, #tpu.memory_space<hbm>>
    %dma_start3A_128 = arith.constant 12288 : i32
    %dma_start3A_129 = tpu.memref_slice %arg5[%add3A_44, %dma_start3A_128] : memref<64x16384xf32, #tpu.memory_space<hbm>> -> memref<1x4096xf32, #tpu.memory_space<hbm>>
    %dma_start3A_130 = tpu.memref_squeeze %dma_start3A_129 : memref<1x4096xf32, #tpu.memory_space<hbm>> -> memref<4096xf32, #tpu.memory_space<hbm>>
    %dma_start3A_131 = arith.constant 0 : i32
    %dma_start3A_132 = tpu.memref_slice %arg8[%dma_start3A_121, %dma_start3A_131] : memref<2x4096xf32, #tpu.memory_space<vmem>> -> memref<1x4096xf32, #tpu.memory_space<vmem>>
    %dma_start3A_133 = tpu.memref_squeeze %dma_start3A_132 : memref<1x4096xf32, #tpu.memory_space<vmem>> -> memref<4096xf32, #tpu.memory_space<vmem>>
    tpu.enqueue_dma source(%dma_start3A_133 : memref<4096xf32, #tpu.memory_space<vmem>>) target(%dma_start3A_130 : memref<4096xf32, #tpu.memory_space<hbm>>) target_semaphore(%arg11 : memref<!tpu.dma_semaphore, #tpu.memory_space<semaphore_mem>>)
    %jit3A_134 = arith.constant 8 : i32
    %eq3A_135 = arith.constant 0 : i32
    %eq3A_136 = arith.cmpi eq, %jit3A_134, %eq3A_135 : i32
    %jit3A_137 = arith.constant 1 : i32
    %select_n3A_138 = arith.select %eq3A_136, %jit3A_137, %jit3A_134 : i32
    %rem3A_139 = arith.remsi %add3A, %select_n3A_138 : i32
    %ne3A_140 = arith.constant 0 : i32
    %ne3A_141 = arith.cmpi ne, %rem3A_139, %ne3A_140 : i32
    %lt3A_142 = arith.constant 0 : i32
    %lt3A_143 = arith.cmpi slt, %rem3A_139, %lt3A_142 : i32
    %lt3A_144 = arith.constant 0 : i32
    %lt3A_145 = arith.cmpi slt, %select_n3A_138, %lt3A_144 : i32
    %ne3A_146 = arith.xori %lt3A_143, %lt3A_145 : i1
    %and3A_147 = arith.andi %ne3A_146, %ne3A_141 : i1
    %add3A_148 = arith.addi %rem3A_139, %select_n3A_138 : i32
    %select_n3A_149 = arith.select %and3A_147, %add3A_148, %rem3A_139 : i32
    %mul3A_150 = arith.constant 8 : i32
    %mul3A_151 = arith.muli %select_n3A_149, %mul3A_150 : i32
    %jit3A_152 = arith.constant 8 : i32
    %div3A_153 = arith.divsi %add3A, %jit3A_152 : i32
    %sign3A_154 = arith.constant 0 : i32
    %sign3A_155 = arith.cmpi sgt, %add3A, %sign3A_154 : i32
    %sign3A_156 = arith.extui %sign3A_155 : i1 to i32
    %sign3A_157 = arith.constant 0 : i32
    %sign3A_158 = arith.cmpi slt, %add3A, %sign3A_157 : i32
    %sign3A_159 = arith.extui %sign3A_158 : i1 to i32
    %sign3A_160 = arith.subi %sign3A_156, %sign3A_159 : i32
    %sign3A_161 = arith.constant 0 : i32
    %sign3A_162 = arith.cmpi sgt, %jit3A_152, %sign3A_161 : i32
    %sign3A_163 = arith.extui %sign3A_162 : i1 to i32
    %sign3A_164 = arith.constant 0 : i32
    %sign3A_165 = arith.cmpi slt, %jit3A_152, %sign3A_164 : i32
    %sign3A_166 = arith.extui %sign3A_165 : i1 to i32
    %sign3A_167 = arith.subi %sign3A_163, %sign3A_166 : i32
    %ne3A_168 = arith.cmpi ne, %sign3A_160, %sign3A_167 : i32
    %rem3A_169 = arith.remsi %add3A, %jit3A_152 : i32
    %ne3A_170 = arith.constant 0 : i32
    %ne3A_171 = arith.cmpi ne, %rem3A_169, %ne3A_170 : i32
    %and3A_172 = arith.andi %ne3A_168, %ne3A_171 : i1
    %sub3A_173 = arith.constant 1 : i32
    %sub3A_174 = arith.subi %div3A_153, %sub3A_173 : i32
    %select_n3A_175 = arith.select %and3A_172, %sub3A_174, %div3A_153 : i32
    %mul3A_176 = arith.constant 2 : i32
    %mul3A_177 = arith.muli %select_n3A_175, %mul3A_176 : i32
    %add3A_178 = arith.constant 1 : i32
    %add3A_179 = arith.addi %mul3A_177, %add3A_178 : i32
    %mul3A_180 = arith.constant 12544 : i32
    %mul3A_181 = arith.muli %add3A_179, %mul3A_180 : i32
    %dma_start3A_182 = tpu.memref_slice %arg3[%mul3A_151, %mul3A_181] : memref<64x100001xf32, #tpu.memory_space<hbm>> -> memref<8x12544xf32, #tpu.memory_space<hbm>>
    %dma_start3A_183 = tpu.memref_slice %arg3[%mul3A_151, %mul3A_181] : memref<64x100001xf32, #tpu.memory_space<hbm>> -> memref<8x12544xf32, #tpu.memory_space<hbm>>
    tpu.enqueue_dma source(%dma_start3A_183 : memref<8x12544xf32, #tpu.memory_space<hbm>>) target(%arg6 : memref<8x12544xf32, #tpu.memory_space<vmem>>) target_semaphore(%arg9 : memref<!tpu.dma_semaphore, #tpu.memory_space<semaphore_mem>>)
    %dma_wait3A_184 = tpu.memref_slice %arg3[%mul3A_151, %mul3A_181] : memref<64x100001xf32, #tpu.memory_space<hbm>> -> memref<8x12544xf32, #tpu.memory_space<hbm>>
    %dma_wait3A_185 = tpu.memref_slice %arg3[%mul3A_151, %mul3A_181] : memref<64x100001xf32, #tpu.memory_space<hbm>> -> memref<8x12544xf32, #tpu.memory_space<hbm>>
    tpu.wait_dma2 semaphore(%arg9 : memref<!tpu.dma_semaphore, #tpu.memory_space<semaphore_mem>>) src(%dma_wait3A_185 : memref<8x12544xf32, #tpu.memory_space<hbm>>) dst(%arg6 : memref<8x12544xf32, #tpu.memory_space<vmem>>)
    %mul3A_186 = arith.constant 2 : i32
    %mul3A_187 = arith.muli %add3A, %mul3A_186 : i32
    %add3A_188 = arith.constant 1 : i32
    %add3A_189 = arith.addi %mul3A_187, %add3A_188 : i32
    %dma_wait3A_190 = arith.constant 0 : i32
    %dma_wait3A_191 = arith.constant 0 : i32
    %dma_wait3A_192 = tpu.memref_slice %arg8[%dma_wait3A_190, %dma_wait3A_191] : memref<2x4096xf32, #tpu.memory_space<vmem>> -> memref<1x4096xf32, #tpu.memory_space<vmem>>
    %dma_wait3A_193 = tpu.memref_squeeze %dma_wait3A_192 : memref<1x4096xf32, #tpu.memory_space<vmem>> -> memref<4096xf32, #tpu.memory_space<vmem>>
    %dma_wait3A_194 = arith.constant 8192 : i32
    %dma_wait3A_195 = tpu.memref_slice %arg5[%add3A_44, %dma_wait3A_194] : memref<64x16384xf32, #tpu.memory_space<hbm>> -> memref<1x4096xf32, #tpu.memory_space<hbm>>
    %dma_wait3A_196 = tpu.memref_squeeze %dma_wait3A_195 : memref<1x4096xf32, #tpu.memory_space<hbm>> -> memref<4096xf32, #tpu.memory_space<hbm>>
    %dma_wait3A_197 = arith.constant 8192 : i32
    %dma_wait3A_198 = tpu.memref_slice %arg5[%add3A_44, %dma_wait3A_197] : memref<64x16384xf32, #tpu.memory_space<hbm>> -> memref<1x4096xf32, #tpu.memory_space<hbm>>
    %dma_wait3A_199 = tpu.memref_squeeze %dma_wait3A_198 : memref<1x4096xf32, #tpu.memory_space<hbm>> -> memref<4096xf32, #tpu.memory_space<hbm>>
    %dma_wait3A_200 = arith.constant 0 : i32
    %dma_wait3A_201 = tpu.memref_slice %arg8[%dma_wait3A_190, %dma_wait3A_200] : memref<2x4096xf32, #tpu.memory_space<vmem>> -> memref<1x4096xf32, #tpu.memory_space<vmem>>
    %dma_wait3A_202 = tpu.memref_squeeze %dma_wait3A_201 : memref<1x4096xf32, #tpu.memory_space<vmem>> -> memref<4096xf32, #tpu.memory_space<vmem>>
    tpu.wait_dma2 semaphore(%arg11 : memref<!tpu.dma_semaphore, #tpu.memory_space<semaphore_mem>>) src(%dma_wait3A_202 : memref<4096xf32, #tpu.memory_space<vmem>>) dst(%dma_wait3A_199 : memref<4096xf32, #tpu.memory_space<hbm>>)
    %parallel_loop3A_203 = arith.constant 0 : i32
    %parallel_loop3A_204 = arith.constant 256 : i32
    %parallel_loop3A_205 = arith.constant 1 : i32
    scf.for %parallel_loop3A_332 = %parallel_loop3A_203 to %parallel_loop3A_204 step %parallel_loop3A_205  : i32 {
      %parallel_loop3A_333 = arith.constant 16 : i32
      %parallel_loop3A_334 = arith.muli %parallel_loop3A_332, %parallel_loop3A_333 : i32
      %parallel_loop3A_335 = arith.constant 0 : i32
      %parallel_loop3A_336 = arith.addi %parallel_loop3A_335, %parallel_loop3A_334 : i32
      %parallel_loop3A_337 = arith.index_cast %parallel_loop3A_336 : i32 to index
      %parallel_loop3A_338 = tpu.vector_load %arg7[%parallel_loop3A_337] {strides = array<i32>} : memref<16384xi32, #tpu.memory_space<vmem>>, vector<16xi32>,
      %parallel_loop3A_339 = arith.constant 13 : i32
      %parallel_loop3A_340 = vector.broadcast %parallel_loop3A_339 : i32 to vector<16xi32>
      %parallel_loop3A_341 = arith.shrui %parallel_loop3A_338, %parallel_loop3A_340 : vector<16xi32>
      %parallel_loop3A_342 = arith.constant 7 : i32
      %parallel_loop3A_343 = vector.broadcast %parallel_loop3A_342 : i32 to vector<16xi32>
      %parallel_loop3A_344 = arith.andi %parallel_loop3A_341, %parallel_loop3A_343 : vector<16xi32>
      %parallel_loop3A_345 = arith.constant 8191 : i32
      %parallel_loop3A_346 = vector.broadcast %parallel_loop3A_345 : i32 to vector<16xi32>
      %parallel_loop3A_347 = arith.andi %parallel_loop3A_338, %parallel_loop3A_346 : vector<16xi32>
      %parallel_loop3A_348 = tpu.vector_load_idx %arg6[%parallel_loop3A_344, %parallel_loop3A_347] : memref<8x12544xf32, #tpu.memory_space<vmem>>[vector<16xi32>, vector<16xi32>], vector<16xf32>,
      %parallel_loop3A_349 = arith.constant 16 : i32
      %parallel_loop3A_350 = arith.muli %parallel_loop3A_332, %parallel_loop3A_349 : i32
      %parallel_loop3A_351 = arith.constant 0 : i32
      %parallel_loop3A_352 = arith.index_cast %parallel_loop3A_351 : i32 to index
      %parallel_loop3A_353 = arith.index_cast %parallel_loop3A_350 : i32 to index
      %parallel_loop3A_354 = tpu.vector_load %arg8[%parallel_loop3A_352, %parallel_loop3A_353] {strides = array<i32>} : memref<2x4096xf32, #tpu.memory_space<vmem>>, vector<16xf32>,
      tpu.vector_store %arg8[%parallel_loop3A_352, %parallel_loop3A_353], %parallel_loop3A_348 {strides = array<i32>} : memref<2x4096xf32, #tpu.memory_space<vmem>>, vector<16xf32>,
    } {sc.loop_unroll_factor = 8 : i64, sc.parallel_access}
    %dma_start3A_206 = arith.constant 0 : i32
    %dma_start3A_207 = arith.constant 0 : i32
    %dma_start3A_208 = tpu.memref_slice %arg8[%dma_start3A_206, %dma_start3A_207] : memref<2x4096xf32, #tpu.memory_space<vmem>> -> memref<1x4096xf32, #tpu.memory_space<vmem>>
    %dma_start3A_209 = tpu.memref_squeeze %dma_start3A_208 : memref<1x4096xf32, #tpu.memory_space<vmem>> -> memref<4096xf32, #tpu.memory_space<vmem>>
    %dma_start3A_210 = arith.constant 0 : i32
    %dma_start3A_211 = tpu.memref_slice %arg5[%add3A_189, %dma_start3A_210] : memref<64x16384xf32, #tpu.memory_space<hbm>> -> memref<1x4096xf32, #tpu.memory_space<hbm>>
    %dma_start3A_212 = tpu.memref_squeeze %dma_start3A_211 : memref<1x4096xf32, #tpu.memory_space<hbm>> -> memref<4096xf32, #tpu.memory_space<hbm>>
    %dma_start3A_213 = arith.constant 0 : i32
    %dma_start3A_214 = tpu.memref_slice %arg5[%add3A_189, %dma_start3A_213] : memref<64x16384xf32, #tpu.memory_space<hbm>> -> memref<1x4096xf32, #tpu.memory_space<hbm>>
    %dma_start3A_215 = tpu.memref_squeeze %dma_start3A_214 : memref<1x4096xf32, #tpu.memory_space<hbm>> -> memref<4096xf32, #tpu.memory_space<hbm>>
    %dma_start3A_216 = arith.constant 0 : i32
    %dma_start3A_217 = tpu.memref_slice %arg8[%dma_start3A_206, %dma_start3A_216] : memref<2x4096xf32, #tpu.memory_space<vmem>> -> memref<1x4096xf32, #tpu.memory_space<vmem>>
    %dma_start3A_218 = tpu.memref_squeeze %dma_start3A_217 : memref<1x4096xf32, #tpu.memory_space<vmem>> -> memref<4096xf32, #tpu.memory_space<vmem>>
    tpu.enqueue_dma source(%dma_start3A_218 : memref<4096xf32, #tpu.memory_space<vmem>>) target(%dma_start3A_215 : memref<4096xf32, #tpu.memory_space<hbm>>) target_semaphore(%arg11 : memref<!tpu.dma_semaphore, #tpu.memory_space<semaphore_mem>>)
    %dma_wait3A_219 = arith.constant 1 : i32
    %dma_wait3A_220 = arith.constant 0 : i32
    %dma_wait3A_221 = tpu.memref_slice %arg8[%dma_wait3A_219, %dma_wait3A_220] : memref<2x4096xf32, #tpu.memory_space<vmem>> -> memref<1x4096xf32, #tpu.memory_space<vmem>>
    %dma_wait3A_222 = tpu.memref_squeeze %dma_wait3A_221 : memref<1x4096xf32, #tpu.memory_space<vmem>> -> memref<4096xf32, #tpu.memory_space<vmem>>
    %dma_wait3A_223 = arith.constant 12288 : i32
    %dma_wait3A_224 = tpu.memref_slice %arg5[%add3A_44, %dma_wait3A_223] : memref<64x16384xf32, #tpu.memory_space<hbm>> -> memref<1x4096xf32, #tpu.memory_space<hbm>>
    %dma_wait3A_225 = tpu.memref_squeeze %dma_wait3A_224 : memref<1x4096xf32, #tpu.memory_space<hbm>> -> memref<4096xf32, #tpu.memory_space<hbm>>
    %dma_wait3A_226 = arith.constant 12288 : i32
    %dma_wait3A_227 = tpu.memref_slice %arg5[%add3A_44, %dma_wait3A_226] : memref<64x16384xf32, #tpu.memory_space<hbm>> -> memref<1x4096xf32, #tpu.memory_space<hbm>>
    %dma_wait3A_228 = tpu.memref_squeeze %dma_wait3A_227 : memref<1x4096xf32, #tpu.memory_space<hbm>> -> memref<4096xf32, #tpu.memory_space<hbm>>
    %dma_wait3A_229 = arith.constant 0 : i32
    %dma_wait3A_230 = tpu.memref_slice %arg8[%dma_wait3A_219, %dma_wait3A_229] : memref<2x4096xf32, #tpu.memory_space<vmem>> -> memref<1x4096xf32, #tpu.memory_space<vmem>>
    %dma_wait3A_231 = tpu.memref_squeeze %dma_wait3A_230 : memref<1x4096xf32, #tpu.memory_space<vmem>> -> memref<4096xf32, #tpu.memory_space<vmem>>
    tpu.wait_dma2 semaphore(%arg11 : memref<!tpu.dma_semaphore, #tpu.memory_space<semaphore_mem>>) src(%dma_wait3A_231 : memref<4096xf32, #tpu.memory_space<vmem>>) dst(%dma_wait3A_228 : memref<4096xf32, #tpu.memory_space<hbm>>)
    %parallel_loop3A_232 = arith.constant 0 : i32
    %parallel_loop3A_233 = arith.constant 256 : i32
    %parallel_loop3A_234 = arith.constant 1 : i32
    scf.for %parallel_loop3A_332 = %parallel_loop3A_232 to %parallel_loop3A_233 step %parallel_loop3A_234  : i32 {
      %parallel_loop3A_333 = arith.constant 16 : i32
      %parallel_loop3A_334 = arith.muli %parallel_loop3A_332, %parallel_loop3A_333 : i32
      %parallel_loop3A_335 = arith.constant 4096 : i32
      %parallel_loop3A_336 = arith.addi %parallel_loop3A_335, %parallel_loop3A_334 : i32
      %parallel_loop3A_337 = arith.index_cast %parallel_loop3A_336 : i32 to index
      %parallel_loop3A_338 = tpu.vector_load %arg7[%parallel_loop3A_337] {strides = array<i32>} : memref<16384xi32, #tpu.memory_space<vmem>>, vector<16xi32>,
      %parallel_loop3A_339 = arith.constant 13 : i32
      %parallel_loop3A_340 = vector.broadcast %parallel_loop3A_339 : i32 to vector<16xi32>
      %parallel_loop3A_341 = arith.shrui %parallel_loop3A_338, %parallel_loop3A_340 : vector<16xi32>
      %parallel_loop3A_342 = arith.constant 7 : i32
      %parallel_loop3A_343 = vector.broadcast %parallel_loop3A_342 : i32 to vector<16xi32>
      %parallel_loop3A_344 = arith.andi %parallel_loop3A_341, %parallel_loop3A_343 : vector<16xi32>
      %parallel_loop3A_345 = arith.constant 8191 : i32
      %parallel_loop3A_346 = vector.broadcast %parallel_loop3A_345 : i32 to vector<16xi32>
      %parallel_loop3A_347 = arith.andi %parallel_loop3A_338, %parallel_loop3A_346 : vector<16xi32>
      %parallel_loop3A_348 = tpu.vector_load_idx %arg6[%parallel_loop3A_344, %parallel_loop3A_347] : memref<8x12544xf32, #tpu.memory_space<vmem>>[vector<16xi32>, vector<16xi32>], vector<16xf32>,
      %parallel_loop3A_349 = arith.constant 16 : i32
      %parallel_loop3A_350 = arith.muli %parallel_loop3A_332, %parallel_loop3A_349 : i32
      %parallel_loop3A_351 = arith.constant 1 : i32
      %parallel_loop3A_352 = arith.index_cast %parallel_loop3A_351 : i32 to index
      %parallel_loop3A_353 = arith.index_cast %parallel_loop3A_350 : i32 to index
      %parallel_loop3A_354 = tpu.vector_load %arg8[%parallel_loop3A_352, %parallel_loop3A_353] {strides = array<i32>} : memref<2x4096xf32, #tpu.memory_space<vmem>>, vector<16xf32>,
      tpu.vector_store %arg8[%parallel_loop3A_352, %parallel_loop3A_353], %parallel_loop3A_348 {strides = array<i32>} : memref<2x4096xf32, #tpu.memory_space<vmem>>, vector<16xf32>,
    } {sc.loop_unroll_factor = 8 : i64, sc.parallel_access}
    %dma_start3A_235 = arith.constant 1 : i32
    %dma_start3A_236 = arith.constant 0 : i32
    %dma_start3A_237 = tpu.memref_slice %arg8[%dma_start3A_235, %dma_start3A_236] : memref<2x4096xf32, #tpu.memory_space<vmem>> -> memref<1x4096xf32, #tpu.memory_space<vmem>>
    %dma_start3A_238 = tpu.memref_squeeze %dma_start3A_237 : memref<1x4096xf32, #tpu.memory_space<vmem>> -> memref<4096xf32, #tpu.memory_space<vmem>>
    %dma_start3A_239 = arith.constant 4096 : i32
    %dma_start3A_240 = tpu.memref_slice %arg5[%add3A_189, %dma_start3A_239] : memref<64x16384xf32, #tpu.memory_space<hbm>> -> memref<1x4096xf32, #tpu.memory_space<hbm>>
    %dma_start3A_241 = tpu.memref_squeeze %dma_start3A_240 : memref<1x4096xf32, #tpu.memory_space<hbm>> -> memref<4096xf32, #tpu.memory_space<hbm>>
    %dma_start3A_242 = arith.constant 4096 : i32
    %dma_start3A_243 = tpu.memref_slice %arg5[%add3A_189, %dma_start3A_242] : memref<64x16384xf32, #tpu.memory_space<hbm>> -> memref<1x4096xf32, #tpu.memory_space<hbm>>
    %dma_start3A_244 = tpu.memref_squeeze %dma_start3A_243 : memref<1x4096xf32, #tpu.memory_space<hbm>> -> memref<4096xf32, #tpu.memory_space<hbm>>
    %dma_start3A_245 = arith.constant 0 : i32
    %dma_start3A_246 = tpu.memref_slice %arg8[%dma_start3A_235, %dma_start3A_245] : memref<2x4096xf32, #tpu.memory_space<vmem>> -> memref<1x4096xf32, #tpu.memory_space<vmem>>
    %dma_start3A_247 = tpu.memref_squeeze %dma_start3A_246 : memref<1x4096xf32, #tpu.memory_space<vmem>> -> memref<4096xf32, #tpu.memory_space<vmem>>
    tpu.enqueue_dma source(%dma_start3A_247 : memref<4096xf32, #tpu.memory_space<vmem>>) target(%dma_start3A_244 : memref<4096xf32, #tpu.memory_space<hbm>>) target_semaphore(%arg11 : memref<!tpu.dma_semaphore, #tpu.memory_space<semaphore_mem>>)
    %dma_wait3A_248 = arith.constant 0 : i32
    %dma_wait3A_249 = arith.constant 0 : i32
    %dma_wait3A_250 = tpu.memref_slice %arg8[%dma_wait3A_248, %dma_wait3A_249] : memref<2x4096xf32, #tpu.memory_space<vmem>> -> memref<1x4096xf32, #tpu.memory_space<vmem>>
    %dma_wait3A_251 = tpu.memref_squeeze %dma_wait3A_250 : memref<1x4096xf32, #tpu.memory_space<vmem>> -> memref<4096xf32, #tpu.memory_space<vmem>>
    %dma_wait3A_252 = arith.constant 0 : i32
    %dma_wait3A_253 = tpu.memref_slice %arg5[%add3A_189, %dma_wait3A_252] : memref<64x16384xf32, #tpu.memory_space<hbm>> -> memref<1x4096xf32, #tpu.memory_space<hbm>>
    %dma_wait3A_254 = tpu.memref_squeeze %dma_wait3A_253 : memref<1x4096xf32, #tpu.memory_space<hbm>> -> memref<4096xf32, #tpu.memory_space<hbm>>
    %dma_wait3A_255 = arith.constant 0 : i32
    %dma_wait3A_256 = tpu.memref_slice %arg5[%add3A_189, %dma_wait3A_255] : memref<64x16384xf32, #tpu.memory_space<hbm>> -> memref<1x4096xf32, #tpu.memory_space<hbm>>
    %dma_wait3A_257 = tpu.memref_squeeze %dma_wait3A_256 : memref<1x4096xf32, #tpu.memory_space<hbm>> -> memref<4096xf32, #tpu.memory_space<hbm>>
    %dma_wait3A_258 = arith.constant 0 : i32
    %dma_wait3A_259 = tpu.memref_slice %arg8[%dma_wait3A_248, %dma_wait3A_258] : memref<2x4096xf32, #tpu.memory_space<vmem>> -> memref<1x4096xf32, #tpu.memory_space<vmem>>
    %dma_wait3A_260 = tpu.memref_squeeze %dma_wait3A_259 : memref<1x4096xf32, #tpu.memory_space<vmem>> -> memref<4096xf32, #tpu.memory_space<vmem>>
    tpu.wait_dma2 semaphore(%arg11 : memref<!tpu.dma_semaphore, #tpu.memory_space<semaphore_mem>>) src(%dma_wait3A_260 : memref<4096xf32, #tpu.memory_space<vmem>>) dst(%dma_wait3A_257 : memref<4096xf32, #tpu.memory_space<hbm>>)
    %parallel_loop3A_261 = arith.constant 0 : i32
    %parallel_loop3A_262 = arith.constant 256 : i32
    %parallel_loop3A_263 = arith.constant 1 : i32
    scf.for %parallel_loop3A_332 = %parallel_loop3A_261 to %parallel_loop3A_262 step %parallel_loop3A_263  : i32 {
      %parallel_loop3A_333 = arith.constant 16 : i32
      %parallel_loop3A_334 = arith.muli %parallel_loop3A_332, %parallel_loop3A_333 : i32
      %parallel_loop3A_335 = arith.constant 8192 : i32
      %parallel_loop3A_336 = arith.addi %parallel_loop3A_335, %parallel_loop3A_334 : i32
      %parallel_loop3A_337 = arith.index_cast %parallel_loop3A_336 : i32 to index
      %parallel_loop3A_338 = tpu.vector_load %arg7[%parallel_loop3A_337] {strides = array<i32>} : memref<16384xi32, #tpu.memory_space<vmem>>, vector<16xi32>,
      %parallel_loop3A_339 = arith.constant 13 : i32
      %parallel_loop3A_340 = vector.broadcast %parallel_loop3A_339 : i32 to vector<16xi32>
      %parallel_loop3A_341 = arith.shrui %parallel_loop3A_338, %parallel_loop3A_340 : vector<16xi32>
      %parallel_loop3A_342 = arith.constant 7 : i32
      %parallel_loop3A_343 = vector.broadcast %parallel_loop3A_342 : i32 to vector<16xi32>
      %parallel_loop3A_344 = arith.andi %parallel_loop3A_341, %parallel_loop3A_343 : vector<16xi32>
      %parallel_loop3A_345 = arith.constant 8191 : i32
      %parallel_loop3A_346 = vector.broadcast %parallel_loop3A_345 : i32 to vector<16xi32>
      %parallel_loop3A_347 = arith.andi %parallel_loop3A_338, %parallel_loop3A_346 : vector<16xi32>
      %parallel_loop3A_348 = tpu.vector_load_idx %arg6[%parallel_loop3A_344, %parallel_loop3A_347] : memref<8x12544xf32, #tpu.memory_space<vmem>>[vector<16xi32>, vector<16xi32>], vector<16xf32>,
      %parallel_loop3A_349 = arith.constant 16 : i32
      %parallel_loop3A_350 = arith.muli %parallel_loop3A_332, %parallel_loop3A_349 : i32
      %parallel_loop3A_351 = arith.constant 0 : i32
      %parallel_loop3A_352 = arith.index_cast %parallel_loop3A_351 : i32 to index
      %parallel_loop3A_353 = arith.index_cast %parallel_loop3A_350 : i32 to index
      %parallel_loop3A_354 = tpu.vector_load %arg8[%parallel_loop3A_352, %parallel_loop3A_353] {strides = array<i32>} : memref<2x4096xf32, #tpu.memory_space<vmem>>, vector<16xf32>,
      tpu.vector_store %arg8[%parallel_loop3A_352, %parallel_loop3A_353], %parallel_loop3A_348 {strides = array<i32>} : memref<2x4096xf32, #tpu.memory_space<vmem>>, vector<16xf32>,
    } {sc.loop_unroll_factor = 8 : i64, sc.parallel_access}
    %dma_start3A_264 = arith.constant 0 : i32
    %dma_start3A_265 = arith.constant 0 : i32
    %dma_start3A_266 = tpu.memref_slice %arg8[%dma_start3A_264, %dma_start3A_265] : memref<2x4096xf32, #tpu.memory_space<vmem>> -> memref<1x4096xf32, #tpu.memory_space<vmem>>
    %dma_start3A_267 = tpu.memref_squeeze %dma_start3A_266 : memref<1x4096xf32, #tpu.memory_space<vmem>> -> memref<4096xf32, #tpu.memory_space<vmem>>
    %dma_start3A_268 = arith.constant 8192 : i32
    %dma_start3A_269 = tpu.memref_slice %arg5[%add3A_189, %dma_start3A_268] : memref<64x16384xf32, #tpu.memory_space<hbm>> -> memref<1x4096xf32, #tpu.memory_space<hbm>>
    %dma_start3A_270 = tpu.memref_squeeze %dma_start3A_269 : memref<1x4096xf32, #tpu.memory_space<hbm>> -> memref<4096xf32, #tpu.memory_space<hbm>>
    %dma_start3A_271 = arith.constant 8192 : i32
    %dma_start3A_272 = tpu.memref_slice %arg5[%add3A_189, %dma_start3A_271] : memref<64x16384xf32, #tpu.memory_space<hbm>> -> memref<1x4096xf32, #tpu.memory_space<hbm>>
    %dma_start3A_273 = tpu.memref_squeeze %dma_start3A_272 : memref<1x4096xf32, #tpu.memory_space<hbm>> -> memref<4096xf32, #tpu.memory_space<hbm>>
    %dma_start3A_274 = arith.constant 0 : i32
    %dma_start3A_275 = tpu.memref_slice %arg8[%dma_start3A_264, %dma_start3A_274] : memref<2x4096xf32, #tpu.memory_space<vmem>> -> memref<1x4096xf32, #tpu.memory_space<vmem>>
    %dma_start3A_276 = tpu.memref_squeeze %dma_start3A_275 : memref<1x4096xf32, #tpu.memory_space<vmem>> -> memref<4096xf32, #tpu.memory_space<vmem>>
    tpu.enqueue_dma source(%dma_start3A_276 : memref<4096xf32, #tpu.memory_space<vmem>>) target(%dma_start3A_273 : memref<4096xf32, #tpu.memory_space<hbm>>) target_semaphore(%arg11 : memref<!tpu.dma_semaphore, #tpu.memory_space<semaphore_mem>>)
    %dma_wait3A_277 = arith.constant 1 : i32
    %dma_wait3A_278 = arith.constant 0 : i32
    %dma_wait3A_279 = tpu.memref_slice %arg8[%dma_wait3A_277, %dma_wait3A_278] : memref<2x4096xf32, #tpu.memory_space<vmem>> -> memref<1x4096xf32, #tpu.memory_space<vmem>>
    %dma_wait3A_280 = tpu.memref_squeeze %dma_wait3A_279 : memref<1x4096xf32, #tpu.memory_space<vmem>> -> memref<4096xf32, #tpu.memory_space<vmem>>
    %dma_wait3A_281 = arith.constant 4096 : i32
    %dma_wait3A_282 = tpu.memref_slice %arg5[%add3A_189, %dma_wait3A_281] : memref<64x16384xf32, #tpu.memory_space<hbm>> -> memref<1x4096xf32, #tpu.memory_space<hbm>>
    %dma_wait3A_283 = tpu.memref_squeeze %dma_wait3A_282 : memref<1x4096xf32, #tpu.memory_space<hbm>> -> memref<4096xf32, #tpu.memory_space<hbm>>
    %dma_wait3A_284 = arith.constant 4096 : i32
    %dma_wait3A_285 = tpu.memref_slice %arg5[%add3A_189, %dma_wait3A_284] : memref<64x16384xf32, #tpu.memory_space<hbm>> -> memref<1x4096xf32, #tpu.memory_space<hbm>>
    %dma_wait3A_286 = tpu.memref_squeeze %dma_wait3A_285 : memref<1x4096xf32, #tpu.memory_space<hbm>> -> memref<4096xf32, #tpu.memory_space<hbm>>
    %dma_wait3A_287 = arith.constant 0 : i32
    %dma_wait3A_288 = tpu.memref_slice %arg8[%dma_wait3A_277, %dma_wait3A_287] : memref<2x4096xf32, #tpu.memory_space<vmem>> -> memref<1x4096xf32, #tpu.memory_space<vmem>>
    %dma_wait3A_289 = tpu.memref_squeeze %dma_wait3A_288 : memref<1x4096xf32, #tpu.memory_space<vmem>> -> memref<4096xf32, #tpu.memory_space<vmem>>
    tpu.wait_dma2 semaphore(%arg11 : memref<!tpu.dma_semaphore, #tpu.memory_space<semaphore_mem>>) src(%dma_wait3A_289 : memref<4096xf32, #tpu.memory_space<vmem>>) dst(%dma_wait3A_286 : memref<4096xf32, #tpu.memory_space<hbm>>)
    %parallel_loop3A_290 = arith.constant 0 : i32
    %parallel_loop3A_291 = arith.constant 256 : i32
    %parallel_loop3A_292 = arith.constant 1 : i32
    scf.for %parallel_loop3A_332 = %parallel_loop3A_290 to %parallel_loop3A_291 step %parallel_loop3A_292  : i32 {
      %parallel_loop3A_333 = arith.constant 16 : i32
      %parallel_loop3A_334 = arith.muli %parallel_loop3A_332, %parallel_loop3A_333 : i32
      %parallel_loop3A_335 = arith.constant 12288 : i32
      %parallel_loop3A_336 = arith.addi %parallel_loop3A_335, %parallel_loop3A_334 : i32
      %parallel_loop3A_337 = arith.index_cast %parallel_loop3A_336 : i32 to index
      %parallel_loop3A_338 = tpu.vector_load %arg7[%parallel_loop3A_337] {strides = array<i32>} : memref<16384xi32, #tpu.memory_space<vmem>>, vector<16xi32>,
      %parallel_loop3A_339 = arith.constant 13 : i32
      %parallel_loop3A_340 = vector.broadcast %parallel_loop3A_339 : i32 to vector<16xi32>
      %parallel_loop3A_341 = arith.shrui %parallel_loop3A_338, %parallel_loop3A_340 : vector<16xi32>
      %parallel_loop3A_342 = arith.constant 7 : i32
      %parallel_loop3A_343 = vector.broadcast %parallel_loop3A_342 : i32 to vector<16xi32>
      %parallel_loop3A_344 = arith.andi %parallel_loop3A_341, %parallel_loop3A_343 : vector<16xi32>
      %parallel_loop3A_345 = arith.constant 8191 : i32
      %parallel_loop3A_346 = vector.broadcast %parallel_loop3A_345 : i32 to vector<16xi32>
      %parallel_loop3A_347 = arith.andi %parallel_loop3A_338, %parallel_loop3A_346 : vector<16xi32>
      %parallel_loop3A_348 = tpu.vector_load_idx %arg6[%parallel_loop3A_344, %parallel_loop3A_347] : memref<8x12544xf32, #tpu.memory_space<vmem>>[vector<16xi32>, vector<16xi32>], vector<16xf32>,
      %parallel_loop3A_349 = arith.constant 16 : i32
      %parallel_loop3A_350 = arith.muli %parallel_loop3A_332, %parallel_loop3A_349 : i32
      %parallel_loop3A_351 = arith.constant 1 : i32
      %parallel_loop3A_352 = arith.index_cast %parallel_loop3A_351 : i32 to index
      %parallel_loop3A_353 = arith.index_cast %parallel_loop3A_350 : i32 to index
      %parallel_loop3A_354 = tpu.vector_load %arg8[%parallel_loop3A_352, %parallel_loop3A_353] {strides = array<i32>} : memref<2x4096xf32, #tpu.memory_space<vmem>>, vector<16xf32>,
      tpu.vector_store %arg8[%parallel_loop3A_352, %parallel_loop3A_353], %parallel_loop3A_348 {strides = array<i32>} : memref<2x4096xf32, #tpu.memory_space<vmem>>, vector<16xf32>,
    } {sc.loop_unroll_factor = 8 : i64, sc.parallel_access}
    %dma_start3A_293 = arith.constant 1 : i32
    %dma_start3A_294 = arith.constant 0 : i32
    %dma_start3A_295 = tpu.memref_slice %arg8[%dma_start3A_293, %dma_start3A_294] : memref<2x4096xf32, #tpu.memory_space<vmem>> -> memref<1x4096xf32, #tpu.memory_space<vmem>>
    %dma_start3A_296 = tpu.memref_squeeze %dma_start3A_295 : memref<1x4096xf32, #tpu.memory_space<vmem>> -> memref<4096xf32, #tpu.memory_space<vmem>>
    %dma_start3A_297 = arith.constant 12288 : i32
    %dma_start3A_298 = tpu.memref_slice %arg5[%add3A_189, %dma_start3A_297] : memref<64x16384xf32, #tpu.memory_space<hbm>> -> memref<1x4096xf32, #tpu.memory_space<hbm>>
    %dma_start3A_299 = tpu.memref_squeeze %dma_start3A_298 : memref<1x4096xf32, #tpu.memory_space<hbm>> -> memref<4096xf32, #tpu.memory_space<hbm>>
    %dma_start3A_300 = arith.constant 12288 : i32
    %dma_start3A_301 = tpu.memref_slice %arg5[%add3A_189, %dma_start3A_300] : memref<64x16384xf32, #tpu.memory_space<hbm>> -> memref<1x4096xf32, #tpu.memory_space<hbm>>
    %dma_start3A_302 = tpu.memref_squeeze %dma_start3A_301 : memref<1x4096xf32, #tpu.memory_space<hbm>> -> memref<4096xf32, #tpu.memory_space<hbm>>
    %dma_start3A_303 = arith.constant 0 : i32
    %dma_start3A_304 = tpu.memref_slice %arg8[%dma_start3A_293, %dma_start3A_303] : memref<2x4096xf32, #tpu.memory_space<vmem>> -> memref<1x4096xf32, #tpu.memory_space<vmem>>
    %dma_start3A_305 = tpu.memref_squeeze %dma_start3A_304 : memref<1x4096xf32, #tpu.memory_space<vmem>> -> memref<4096xf32, #tpu.memory_space<vmem>>
    tpu.enqueue_dma source(%dma_start3A_305 : memref<4096xf32, #tpu.memory_space<vmem>>) target(%dma_start3A_302 : memref<4096xf32, #tpu.memory_space<hbm>>) target_semaphore(%arg11 : memref<!tpu.dma_semaphore, #tpu.memory_space<semaphore_mem>>)
    %dma_wait3A_306 = arith.constant 0 : i32
    %dma_wait3A_307 = arith.constant 0 : i32
    %dma_wait3A_308 = tpu.memref_slice %arg8[%dma_wait3A_306, %dma_wait3A_307] : memref<2x4096xf32, #tpu.memory_space<vmem>> -> memref<1x4096xf32, #tpu.memory_space<vmem>>
    %dma_wait3A_309 = tpu.memref_squeeze %dma_wait3A_308 : memref<1x4096xf32, #tpu.memory_space<vmem>> -> memref<4096xf32, #tpu.memory_space<vmem>>
    %dma_wait3A_310 = arith.constant 8192 : i32
    %dma_wait3A_311 = tpu.memref_slice %arg5[%add3A_189, %dma_wait3A_310] : memref<64x16384xf32, #tpu.memory_space<hbm>> -> memref<1x4096xf32, #tpu.memory_space<hbm>>
    %dma_wait3A_312 = tpu.memref_squeeze %dma_wait3A_311 : memref<1x4096xf32, #tpu.memory_space<hbm>> -> memref<4096xf32, #tpu.memory_space<hbm>>
    %dma_wait3A_313 = arith.constant 8192 : i32
    %dma_wait3A_314 = tpu.memref_slice %arg5[%add3A_189, %dma_wait3A_313] : memref<64x16384xf32, #tpu.memory_space<hbm>> -> memref<1x4096xf32, #tpu.memory_space<hbm>>
    %dma_wait3A_315 = tpu.memref_squeeze %dma_wait3A_314 : memref<1x4096xf32, #tpu.memory_space<hbm>> -> memref<4096xf32, #tpu.memory_space<hbm>>
    %dma_wait3A_316 = arith.constant 0 : i32
    %dma_wait3A_317 = tpu.memref_slice %arg8[%dma_wait3A_306, %dma_wait3A_316] : memref<2x4096xf32, #tpu.memory_space<vmem>> -> memref<1x4096xf32, #tpu.memory_space<vmem>>
    %dma_wait3A_318 = tpu.memref_squeeze %dma_wait3A_317 : memref<1x4096xf32, #tpu.memory_space<vmem>> -> memref<4096xf32, #tpu.memory_space<vmem>>
    tpu.wait_dma2 semaphore(%arg11 : memref<!tpu.dma_semaphore, #tpu.memory_space<semaphore_mem>>) src(%dma_wait3A_318 : memref<4096xf32, #tpu.memory_space<vmem>>) dst(%dma_wait3A_315 : memref<4096xf32, #tpu.memory_space<hbm>>)
    %dma_wait3A_319 = arith.constant 1 : i32
    %dma_wait3A_320 = arith.constant 0 : i32
    %dma_wait3A_321 = tpu.memref_slice %arg8[%dma_wait3A_319, %dma_wait3A_320] : memref<2x4096xf32, #tpu.memory_space<vmem>> -> memref<1x4096xf32, #tpu.memory_space<vmem>>
    %dma_wait3A_322 = tpu.memref_squeeze %dma_wait3A_321 : memref<1x4096xf32, #tpu.memory_space<vmem>> -> memref<4096xf32, #tpu.memory_space<vmem>>
    %dma_wait3A_323 = arith.constant 12288 : i32
    %dma_wait3A_324 = tpu.memref_slice %arg5[%add3A_189, %dma_wait3A_323] : memref<64x16384xf32, #tpu.memory_space<hbm>> -> memref<1x4096xf32, #tpu.memory_space<hbm>>
    %dma_wait3A_325 = tpu.memref_squeeze %dma_wait3A_324 : memref<1x4096xf32, #tpu.memory_space<hbm>> -> memref<4096xf32, #tpu.memory_space<hbm>>
    %dma_wait3A_326 = arith.constant 12288 : i32
    %dma_wait3A_327 = tpu.memref_slice %arg5[%add3A_189, %dma_wait3A_326] : memref<64x16384xf32, #tpu.memory_space<hbm>> -> memref<1x4096xf32, #tpu.memory_space<hbm>>
    %dma_wait3A_328 = tpu.memref_squeeze %dma_wait3A_327 : memref<1x4096xf32, #tpu.memory_space<hbm>> -> memref<4096xf32, #tpu.memory_space<hbm>>
    %dma_wait3A_329 = arith.constant 0 : i32
    %dma_wait3A_330 = tpu.memref_slice %arg8[%dma_wait3A_319, %dma_wait3A_329] : memref<2x4096xf32, #tpu.memory_space<vmem>> -> memref<1x4096xf32, #tpu.memory_space<vmem>>
    %dma_wait3A_331 = tpu.memref_squeeze %dma_wait3A_330 : memref<1x4096xf32, #tpu.memory_space<vmem>> -> memref<4096xf32, #tpu.memory_space<vmem>>
    tpu.wait_dma2 semaphore(%arg11 : memref<!tpu.dma_semaphore, #tpu.memory_space<semaphore_mem>>) src(%dma_wait3A_331 : memref<4096xf32, #tpu.memory_space<vmem>>) dst(%dma_wait3A_328 : memref<4096xf32, #tpu.memory_space<hbm>>)
    return
  }
}

</mosaic_0001>

<sc_bundles>
// kernel: kernel.3.cloned.1.call-start
scs
__scs_entry_jumppad:
0x0: {  	(pc) =	sbr.rel $0x88, $3  }
0x1: {  	(tag) =	ssettag $0x0;
	lr =	simm.s32 $0x1  }
0x2: {  	[smem:$0x3F9F] =	sst lr;
	_ =	strace $0xD0000000  }
0x3: {  	_ = 	snop  }
0x4: {  	_ = 	snop  }
0x5: {  	_ = 	snop  }
0x6: {  	_ = 	snop  }
0x7: {  	_ = 	snop  }
__scs_overlays_trampoline_lowered:
0x8: {  	[smem:$0x3FAE] =	sst s0  }
0x9: {  	[smem:$0x3FAF] =	sst s1  }
0xa: {  	[smem:$0x3FB0] =	sst s2  }
0xb: {  	[smem:$0x3FB1] =	sst s3  }
0xc: {  	[smem:$0x3FB2] =	sst s4  }
0xd: {  	[smem:$0x3FB3] =	sst s5  }
0xe: {  	[smem:$0x3FB4] =	sst s6  }
0xf: {  	[smem:$0x3FB5] =	sst s7  }
0x10: {  	[smem:$0x3FB6] =	sst s8  }
0x11: {  	[smem:$0x3FB7] =	sst s9;
	s0 =	simm.s32 @!p0 $0x0  }
0x12: {  	s1 =	sld [smem:$0x3F9D];
	s0 =	simm.s32 @p0 $0x1  }
0x13: {  	[smem:$0x3FB8] =	sst s0;
	s0 =	simm.s32 @!p1 $0x0  }
0x14: {  	s2 =	sld [smem:$0x3F9C];
	s0 =	simm.s32 @p1 $0x1  }
0x15: {  	[smem:$0x3FB9] =	sst s0;
	s0 =	simm.s32 @!p2 $0x0  }
0x16: {  	s3 =	sld [smem:$0x3FDB];
	s0 =	simm.s32 @p2 $0x1  }
0x17: {  	s4 =	simm.s32 $0x1BF5;
	[smem:$0x3FBB] =	sst s0  }
0x18: {  	s0 =	sld [smem:$0x3F9E];
	_ =	swait.ge [sflag:s4], $0x0  }
0x19: {  	s7 =	sld [smem:$0x3F9F]  }
0x1a: {  	s8 =	sadd.s32 $0xFFFFE003, lr  }
0x1b: {  	s9 =	sadd.s32 $0xFFFFFEF7, lr;
	s5 =	simm.s32 $0xFFFFFFFF;
	p2 =	slt.u32 s8, $0xFFFFF086  }
0x1c: {  	p1 =	slt.u32 s9, $0xF7A;
	s5 =	simm.s32 @!p2 $0x0  }
0x1d: {  	s5 =	simm.s32 @p1 $0x1;
	p0 =	seq.s32 s7, s2  }
0x1e: {  	s7 =	smul.u32 @!p0 $0xF7A, s2;
	p2 =	seq.s32 @!p0 s5, $0x0  }
0x1f: {  	s9 =	smul.u32 $0xF7A, s1;
	s8 =	simm.s32 @!p0 $0x1BF5;
	p2 =	por !p2, p0  }
0x20: {  	[sflag:s8] =	ssyncset.s32 @!p0 $0xFFFFF086;
	s6 =	sadd.s32 @!p0 s3, s7;
	s7 =	simm.s32 @!p0 $0x108  }
0x21: {  	s3 =	sadd.s32 s3, s9;
	s6 =	sadd.s32 @!p0 $0x88, s6;
	s7 =	simm.s32 @p2 $0x1082  }
0x22: {  	[simem:s7], [sflag:s8] =	dma.local @!p0 [hbm:s6], $0xF7A  }
0x23: {  	s9 =	sor.u32 $0xD0000000, s2;
	s6 =	simm.s32 $0x108;
	_ =	swait.ge @!p0 [sflag:s8], $0x0  }
0x24: {  	s3 =	sadd.s32 $0x88, s3;
	s6 =	simm.s32 @!p1 $0x1082;
	[sflag:s4] =	ssyncset.s32 $0xFFFFF086  }
0x25: {  	[simem:s6], [sflag:s4] =	dma.local [hbm:s3], $0xF7A  }
0x26: {  	[smem:$0x3F9F] =	sst s1;
	(tag) =	ssettag s2;
	_ =	strace s9  }
0x27: {  	s1 =	sld [smem:$0x3FAF]  }
0x28: {  	s2 =	sld [smem:$0x3FB0]  }
0x29: {  	s4 =	sld [smem:$0x3FB2]  }
0x2a: {  	p0 =	seq.s32 s5, $0x0;
	s5 =	sld [smem:$0x3FB3]  }
0x2b: {  	s6 =	sld [smem:$0x3FB4]  }
0x2c: {  	s7 =	sld [smem:$0x3FB5]  }
0x2d: {  	s3 =	simm.s32 $0x108;
	s8 =	sld [smem:$0x3FB6]  }
0x2e: {  	s3 =	simm.s32 @!p0 $0x1082;
	s9 =	sld [smem:$0x3FB7]  }
0x2f: {  	lr =	sadd.s32 s0, s3;
	s0 =	sld [smem:$0x3FAE]  }
0x30: {  	s3 =	sld [smem:$0x3FB1]  }
0x31: {  	[smem:$0x3FBA] =	sst s10  }
0x32: {  	s10 =	sld [smem:$0x3FB8];
	_ =	sdelay $0x3  }
0x33: {  	p0 =	seq.s32 s10, $0x1;
	s10 =	sld [smem:$0x3FBA];
	_ =	sdelay $0x3  }
0x34: {  	[smem:$0x3FBA] =	sst s10  }
0x35: {  	s10 =	sld [smem:$0x3FB9];
	_ =	sdelay $0x3  }
0x36: {  	p1 =	seq.s32 s10, $0x1;
	s10 =	sld [smem:$0x3FBA];
	_ =	sdelay $0x3  }
0x37: {  	[smem:$0x3FBA] =	sst s10  }
0x38: {  	s10 =	sld [smem:$0x3FBB]  }
0x39: {  	_ = 	snop;
	(pc) =	sbr.ind lr, $3  }
0x3a: {  	_ = 	snop  }
0x3b: {  	_ = 	snop  }
0x3c: {  	p2 =	seq.s32 s10, $0x1;
	s10 =	sld [smem:$0x3FBA]  }
0x3d: {  	_ =	shalt  }
0x3e: {  	_ =	shalt  }
0x3f: {  	_ =	shalt  }
0x40: {  	_ =	shalt  }
0x41: {  	_ =	shalt  }
0x42: {  	_ =	shalt  }
0x43: {  	_ =	shalt  }
0x44: {  	_ =	shalt  }
0x45: {  	_ =	shalt  }
0x46: {  	_ =	shalt  }
0x47: {  	_ =	shalt  }
0x48: {  	_ =	shalt  }
0x49: {  	_ =	shalt  }
0x4a: {  	_ =	shalt  }
0x4b: {  	_ =	shalt  }
0x4c: {  	_ =	shalt  }
0x4d: {  	_ =	shalt  }
0x4e: {  	_ =	shalt  }
0x4f: {  	_ =	shalt  }
0x50: {  	_ =	shalt  }
0x51: {  	_ =	shalt  }
0x52: {  	_ =	shalt  }
0x53: {  	_ =	shalt  }
0x54: {  	_ =	shalt  }
0x55: {  	_ =	shalt  }
0x56: {  	_ =	shalt  }
0x57: {  	_ =	shalt  }
0x58: {  	_ =	shalt  }
0x59: {  	_ =	shalt  }
0x5a: {  	_ =	shalt  }
0x5b: {  	_ =	shalt  }
0x5c: {  	_ =	shalt  }
0x5d: {  	_ =	shalt  }
0x5e: {  	_ =	shalt  }
0x5f: {  	_ =	shalt  }
0x60: {  	_ =	shalt  }
0x61: {  	_ =	shalt  }
0x62: {  	_ =	shalt  }
0x63: {  	_ =	shalt  }
0x64: {  	_ =	shalt  }
0x65: {  	_ =	shalt  }
0x66: {  	_ =	shalt  }
0x67: {  	_ =	shalt  }
0x68: {  	_ =	shalt  }
0x69: {  	_ =	shalt  }
0x6a: {  	_ =	shalt  }
0x6b: {  	_ =	shalt  }
0x6c: {  	_ =	shalt  }
0x6d: {  	_ =	shalt  }
0x6e: {  	_ =	shalt  }
0x6f: {  	_ =	shalt  }
0x70: {  	_ =	shalt  }
0x71: {  	_ =	shalt  }
0x72: {  	_ =	shalt  }
0x73: {  	_ =	shalt  }
0x74: {  	_ =	shalt  }
0x75: {  	_ =	shalt  }
0x76: {  	_ =	shalt  }
0x77: {  	_ =	shalt  }
0x78: {  	_ =	shalt  }
0x79: {  	_ =	shalt  }
0x7a: {  	_ =	shalt  }
0x7b: {  	_ =	shalt  }
0x7c: {  	_ =	shalt  }
0x7d: {  	_ =	shalt  }
0x7e: {  	_ =	shalt  }
0x7f: {  	_ =	shalt  }
0x80: {  	_ =	shalt  }
0x81: {  	_ =	shalt  }
0x82: {  	_ =	shalt  }
0x83: {  	_ =	shalt  }
0x84: {  	_ =	shalt  }
0x85: {  	_ =	shalt  }
0x86: {  	_ =	shalt  }
0x87: {  	_ =	shalt  }
.Lfunc_end0:
.L_simem_size_0:
called_computation_lowered:
.L_overlay_start_0:
0x88: {  	s2 =	sld [smem:$0x3FD9]  }
0x89: {  	s3 =	sld [smem:$0x3FFE];
	_ =	sdelay $0x1  }
0x8a: {  	s1 =	srdreg.scid  }
0x8b: {  	s0 =	sand.u32 $0x1, s1  }
0x8c: {  	s18 =	sshll.u32 s0, $0xA;
	s2 =	sadd.s32 s3, s2  }
0x8d: {  	s2 =	sadd.s32 s2, s18  }
0x8e: {  	[smem:$0x3FC6] =	sst s2  }
0x8f: {  	_ = 	snop  }
0x90: {  	s2 =	sld [smem:$0x3FC9]  }
0x91: {  	s19 =	sld [smem:$0x3FC8]  }
0x92: {  	s4 =	sld [smem:$0x3FD0];
	(tm) =	ssettm $0x1  }
0x93: {  	s5 =	sld [smem:$0x3FFB];
	_ =	sdelay $0x3  }
0x94: {  	_ =	strace s5  }
0x95: {  	s5 =	sld [smem:$0x3FFC];
	_ =	sdelay $0x3  }
0x96: {  	_ =	strace s5  }
0x97: {  	s5 =	sld [smem:$0x3FFD];
	_ =	sdelay $0x3  }
0x98: {  	_ =	strace s5  }
0x99: {  	_ =	strace $0x8FFFFFFF  }
0x9a: {  	s20 =	sld [smem:$0x3FDB];
	_ =	sdelay $0x1  }
0x9b: {  	s6 =	simm.s32 $_scs_section_size  }
0x9c: {  	s7 =	simm.s32 $_size__tile_overlayer_lowered;
	s8 =	simm.s32 $_tile_overlayer_lowered  }
0x9d: {  	s23 =	simm.s32 $0x1BFF;
	s22 =	sshll.u32 s8, $0x1;
	s5 =	sadd.s32 s6, s20  }
0x9e: {  	s9 =	simm.s32 $0x0;
	s21 =	sshll.u32 s7, $0x1;
	s7 =	sadd.s32 s22, s5  }
0x9f: {  	[timem:s9], [sflag:s23] =	dma.local [hbm:s7], s21  }
0xa0: {  	_ =	swait.ge [sflag:s23], s21  }
0xa1: {  	s6 =	ssub.s32 $0x0, s21;
	[sflag:s23] =	ssyncset.done $0x0  }
0xa2: {  	[sflag:s23] =	ssyncadd.s32 s6;
	_ =	sdelay $0x1  }
0xa3: {  	s24 =	simm.s32 $0x1B8B  }
0xa4: {  	_ =	swait.ge [sflag:s24], $0x1  }
0xa5: {  	[sflag:s24] =	ssyncset.done $0x0  }
0xa6: {  	s25 =	simm.s32 $0x1B8E;
	[sflag:s24] =	ssyncadd.s32 $0xFFFFFFFF  }
0xa7: {  	s26 =	simm.s32 $execute0_lowered;
	[smem:$0x3FD2] =	sst s25  }
0xa8: {  	s6 =	sshll.u32 s26, $0x1;
	_ =	strace $0x80000046;
	[dreg:$0x1] =	wrdreg $0xFFFFFFFF  }
0xa9: {  	s28 =	simm.s32 $_size_execute0_lowered;
	s5 =	sadd.s32 s5, s6;
	[dreg:$0x0] =	wrdreg $0x0  }
0xaa: {  	s6 =	sshll.u32 s28, $0x1;
	[dreg:$0x2] =	wrdreg s5  }
0xab: {  	[dreg:$0x3] =	wrdreg s6  }
0xac: {  	[dreg:$0x4] =	wrdreg $0xC0  }
0xad: {  	_ =	task [dreg:s9], $0x5FFFF  }
0xae: {  	[dreg:$0x1] =	wrdreg $0xFFFFFFFF  }
0xaf: {  	[dreg:$0x0] =	wrdreg $0x60  }
0xb0: {  	[dreg:$0x2] =	wrdreg s2  }
0xb1: {  	[dreg:$0x3] =	wrdreg s19  }
0xb2: {  	[dreg:$0x4] =	wrdreg s4  }
0xb3: {  	[dreg:$0x5] =	wrdreg $0x9  }
0xb4: {  	_ =	task.clear_ibuf [dreg:s9], $0x6FFFF;
	_ =	strace $0x90000046  }
0xb5: {  	s29 =	simm.s32 $0x9;
	_ =	strace $0x80000048  }
0xb6: {  	_ =	swait.ge [sflag:s29], $0x1  }
0xb7: {  	[sflag:s29] =	ssyncadd.s32 $0xFFFFFFFF  }
0xb8: {  	_ =	strace $0x90000048  }
0xb9: {  	_ =	sfence  }
0xba: {  	s30 =	sld [smem:$0x0];
	_ =	sdelay $0x2  }
0xbb: {  	s31 =	sshll.u32 s1, $0xD;
	s1 =	sshrl.u32 s1, $0x2  }
0xbc: {  	s3 =	sand.u32 $0x4000, s31;
	s1 =	sadd.s32 s1, s30  }
0xbd: {  	s0 =	sor.u32 s3, s0;
	s1 =	sshll.u32 s1, $0x11  }
0xbe: {  	s0 =	sor.u32 s1, s0  }
0xbf: {  	s0 =	sadd.s32 $0x8F2B, s0  }
0xc0: {  	[sflag:s0] =	ssyncadd.remote.s32 $0x1  }
0xc1: {  	_ =	sfence.sel $0xFFFF  }
0xc2: {  	[dreg:$0x0] =	wrdreg $0xFFFFFFFF;
	(pc) =	sbr.abs _section_cstart, $3  }
0xc3: {  	[dreg:$0x1] =	wrdreg $0xFFFFFFFF  }
0xc4: {  	_ =	task.clear_ibuf [dreg:s9], $0x2FFFF;
	_ =	strace $0x9FFFFFFF  }
0xc5: {  	(tm) =	ssettm $0x7FFFFFFF  }
tec
execute0_lowered:
.L_overlay_start_1:
0x0: {  	(tag) =	ssettag $0x1  }
0x1: {  	s1 =	rddreg [dreg:$0x0]  }
0x2: {  	s4 =	rddreg [dreg:$0x1];
	s2 =	srdreg.scid  }
0x3: {  	s0 =	stileid.u32;
	s13 =	rddreg [dreg:$0x2];
	s3 =	simm.s32 $0x0  }
0x4: {  	s18 =	simm.s32 $0x3;
	s5 =	sand.u32 $0x1, s2;
	s2 =	rddreg [dreg:$0x3]  }
0x5: {  	s19 =	simm.s32 $0x0;
	s6 =	sshll.u32 s0, $0x1;
	[smem:$0x7FF] =	sst s3  }
0x6: {  	s8 =	sshrl.u32 s0, $0x2;
	s12 =	sadd.s32 $0x1000, s13;
	s15 =	sadd.s32 $0x2000, s13  }
0x7: {  	s6 =	sor.u32 s5, s6;
	_ =	strace $0x80000047;
	s8 =	smul.u32 $0x31000, s8  }
0x8: {  	s5 =	ssub.s32 $0x2, s5;
	s7 =	sand.u32 $0x7, s6;
	s9 =	sshll.u32 s6, $0x8  }
0x9: {  	s10 =	sshll.u32 s6, $0xF;
	s25 =	sshrl.u32 s5, $0x1;
	s7 =	smul.u32 $0xC3800, s7  }
0xa: {  	s11 =	sand.u32 $0xE0000, s10;
	s9 =	sand.u32 $0x300, s9;
	s14 =	ssub.s32 s5, s25  }
0xb: {  	s26 =	sor.u32 s9, s11;
	s30 =	sor.u32 s10, s9;
	s9 =	sor.u32 $0x80, s9  }
0xc: {  	s14 =	smax.u32 s14, $0x1;
	s7 =	sadd.s32 s8, s7;
	s29 =	sshrl.u32 s26, $0x3  }
0xd: {  	s8 =	sshrl.u32 s30, $0x3;
	s11 =	sor.u32 s11, s9;
	s9 =	sor.u32 s10, s9  }
0xe: {  	s28 =	sshrl.u32 s7, $0x3;
	s5 =	sadd.s32 s13, s29;
	s6 =	sadd.s32 s29, s12  }
0xf: {  	s7 =	sadd.s32 s29, s15;
	s8 =	sor.u32 $0x3000, s8;
	s16 =	sshrl.u32 s11, $0x3  }
0x10: {  	s31 =	sshrl.u32 s9, $0x3;
	s4 =	sadd.s32 s4, s28;
	s8 =	sadd.s32 s13, s8  }
0x11: {  	s10 =	sadd.s32 s13, s16;
	s17 =	sor.u32 $0x3000, s31;
	s11 =	sadd.s32 s16, s12  }
0x12: {  	s12 =	sadd.s32 s16, s15;
	s15 =	simm.s32 $0x18800;
	s16 =	simm.s32 $0x2  }
0x13: {  	s9 =	sadd.s32 $0x3100, s4;
	s13 =	sadd.s32 s13, s17;
	s17 =	simm.s32 $0x1  }
.LBB2_1:
0x14: {  	[tilespmem:s15], [sflag:$0x2] =	stream.linear.gather [hbm4b:s1+s3], $0x4000, $0x38;
	[tilespmem:$0x1E800] =	vst v63  }
0x15: {  	_ = 	snop  }
0x16: {  	[tilespmem:s3], [sflag:$0x1] =	stream.linear.gather [hbm4b:s4+s3], $0x18800, $0x38;
	[tilespmem:$0x1E800] =	vst v63  }
0x17: {  	_ =	swait.ge [sflag:s16], $0x4000  }
0x18: {  	[sflag:s16] =	ssyncset.done $0x0  }
0x19: {  	[sflag:s16] =	ssyncadd.s32 $0xFFFFC000  }
0x1a: {  	_ =	swait.ge [sflag:s17], $0x18800  }
0x1b: {  	[sflag:s17] =	ssyncset.done $0x0  }
0x1c: {  	s20 =	simm.s32 $0x18840;
	[sflag:s17] =	ssyncadd.s32 $0xFFFE7800  }
0x1d: {  	v0 =	vld [tilespmem:s20+$0x30]  }
0x1e: {  	v1 =	vld [tilespmem:s20+$0xFFFFFFD0]  }
0x1f: {  	v3 =	vld [tilespmem:s20+$0xFFFFFFF0]  }
0x20: {  	v5 =	vld [tilespmem:s20+$0x10]  }
0x21: {  	v7 =	vld [tilespmem:s20+$0x20]  }
0x22: {  	v9 =	vld [tilespmem:s20+$0xFFFFFFC0];
	_ =	sdelay $0x1  }
0x23: {  	v2 =	vld [tilespmem:s20+$0xFFFFFFE0]  }
0x24: {  	v4 =	vld [tilespmem:s20+$0x0];
	v6 =	vshrl.u32 v0, $0x6;
	v8 =	vand.u32 $0x7F, v0;
	v0 =	vshll.u32 v0, $0x3  }
0x25: {  	v10 =	vshrl.u32 v1, $0x6;
	v11 =	vshrl.u32 v3, $0x6;
	v12 =	vshrl.u32 v5, $0x6  }
0x26: {  	v13 =	vand.u32 $0x7F, v1;
	v14 =	vshrl.u32 v7, $0x6;
	v15 =	vand.u32 $0x7F, v9  }
0x27: {  	v16 =	vshrl.u32 v9, $0x6;
	v9 =	vshll.u32 v9, $0x3;
	v1 =	vshll.u32 v1, $0x3  }
0x28: {  	v17 =	vand.u32 $0x7F, v2;
	v18 =	vand.u32 $0x7F, v3;
	v3 =	vshll.u32 v3, $0x3  }
0x29: {  	v19 =	vand.u32 $0x7F, v4;
	v20 =	vand.u32 $0x7F, v5;
	v5 =	vshll.u32 v5, $0x3  }
0x2a: {  	v21 =	vand.u32 $0x7F, v7;
	v7 =	vshll.u32 v7, $0x3;
	v6 =	vand.u32 $0x380, v6  }
0x2b: {  	v0 =	vand.u32 $0xFC00, v0;
	v11 =	vand.u32 $0x380, v11;
	v12 =	vand.u32 $0x380, v12  }
0x2c: {  	v14 =	vand.u32 $0x380, v14;
	v16 =	vand.u32 $0x380, v16;
	v9 =	vand.u32 $0xFC00, v9  }
0x2d: {  	s31 =	simm.s32 $0x188C0;
	v1 =	vand.u32 $0xFC00, v1;
	v3 =	vand.u32 $0xFC00, v3;
	v5 =	vand.u32 $0xFC00, v5  }
0x2e: {  	v7 =	vand.u32 $0xFC00, v7;
	v6 =	vor.u32 v8, v6;
	v15 =	vor.u32 v15, v16;
	v16 =	vld [tilespmem:s31+$0xFFFFFFD0]  }
0x2f: {  	v8 =	vshrl.u32 v2, $0x6;
	v2 =	vshll.u32 v2, $0x3;
	v11 =	vor.u32 v18, v11;
	v18 =	vld [tilespmem:s31+$0xFFFFFFF0]  }
0x30: {  	v0 =	vor.u32 v0, v6;
	v9 =	vor.u32 v9, v15;
	v3 =	vor.u32 v3, v11;
	v11 =	vld [tilespmem:s31+$0x10]  }
0x31: {  	v6 =	vand.u32 $0x380, v10;
	v8 =	vand.u32 $0x380, v8;
	v10 =	vshrl.u32 v4, $0x6;
	v15 =	vld [tilespmem:s31+$0x20]  }
0x32: {  	v4 =	vshll.u32 v4, $0x3;
	v2 =	vand.u32 $0xFC00, v2;
	v6 =	vor.u32 v13, v6;
	v13 =	vld [tilespmem:s31+$0x30]  }
0x33: {  	v10 =	vand.u32 $0x380, v10;
	v8 =	vor.u32 v17, v8;
	v17 =	vld [tilespmem:s31+$0xFFFFFFE0];
	v1 =	vor.u32 v1, v6  }
0x34: {  	v4 =	vand.u32 $0xFC00, v4;
	v10 =	vor.u32 v19, v10;
	v2 =	vor.u32 v2, v8;
	v8 =	vld [tilespmem:s31+$0x0]  }
0x35: {  	v12 =	vor.u32 v20, v12;
	v14 =	vor.u32 v21, v14;
	v4 =	vor.u32 v4, v10;
	v9 =	vld.idx.msk [tilespmem:v9+s3+$0x0], $0xffff  }
0x36: {  	v10 =	vor.u32 v5, v12;
	v12 =	vor.u32 v7, v14;
	v14 =	vshrl.u32 v16, $0x6;
	v26 =	vld.idx.msk [tilespmem:v3+s3+$0x0], $0xffff  }
0x37: {  	v5 =	vshrl.u32 v13, $0x6;
	v6 =	vand.u32 $0x7F, v13;
	v7 =	vshll.u32 v13, $0x3;
	v13 =	vld [tilespmem:s31+$0xFFFFFFC0]  }
0x38: {  	v19 =	vshrl.u32 v18, $0x6;
	v63 =	vand.u32 $0x380, v14;
	v5 =	vand.u32 $0x380, v5;
	v14 =	vld.idx.msk [tilespmem:v1+s3+$0x0], $0xffff  }
0x39: {  	v25 =	vand.u32 $0x7F, v16;
	v7 =	vand.u32 $0xFC00, v7;
	v5 =	vor.u32 v6, v5;
	v6 =	vld.idx.msk [tilespmem:v0+s3+$0x0], $0xffff  }
0x3a: {  	v30 =	vand.u32 $0x7F, v18;
	v19 =	vand.u32 $0x380, v19;
	v28 =	vld.idx.msk [tilespmem:v4+s3+$0x0], $0xffff;
	v20 =	vor.u32 v7, v5  }
0x3b: {  	v29 =	vand.u32 $0x7F, v17;
	v1 =	vshrl.u32 v15, $0x6;
	v0 =	vshrl.u32 v17, $0x6;
	v3 =	vld.idx.msk [tilespmem:v10+s3+$0x0], $0xffff  }
0x3c: {  	v1 =	vand.u32 $0x380, v1;
	v10 =	vshll.u32 v11, $0x3;
	v4 =	vld.idx.msk [tilespmem:v12+s3+$0x0], $0xffff;
	v12 =	vor.u32 v25, v63  }
0x3d: {  	s20 =	simm.s32 $0x1C840;
	v24 =	vld.idx.msk [tilespmem:v2+s3+$0x0], $0xffff;
	v22 =	vand.u32 $0x380, v0;
	v0 =	vshrl.u32 v8, $0x6;
	v5 =	vshll.u32 v16, $0x3  }
0x3e: {  	v16 =	vand.u32 $0x7F, v11;
	v23 =	vand.u32 $0x380, v0;
	[tilespmem:s20+$0xFFFFFFC0] =	vst v9;
	v2 =	vshrl.u32 v13, $0x6  }
0x3f: {  	[tilespmem:s20+$0xFFFFFFF0] =	vst v26;
	v27 =	vand.u32 $0x7F, v13;
	v7 =	vshll.u32 v13, $0x3;
	v13 =	vand.u32 $0x380, v2;
	v2 =	vld.idx.msk [tilespmem:v20+s3+$0x0], $0xffff  }
0x40: {  	v0 =	vshrl.u32 v11, $0x6;
	v9 =	vshll.u32 v18, $0x3;
	v11 =	vshll.u32 v15, $0x3;
	[tilespmem:s20+$0xFFFFFFD0] =	vst v14  }
0x41: {  	v18 =	vor.u32 v29, v22;
	v0 =	vand.u32 $0x380, v0;
	[tilespmem:s20+$0x30] =	vst v6;
	v6 =	vshll.u32 v17, $0x3  }
0x42: {  	[tilespmem:s20+$0xFFFFFFE0] =	vst v24;
	v17 =	vand.u32 $0x7F, v15;
	v14 =	vor.u32 v27, v13;
	v20 =	vand.u32 $0x7F, v8  }
0x43: {  	s22 =	simm.s32 $0x8;
	s23 =	simm.s32 $0x18940;
	s21 =	simm.s32 $0x1C940;
	v15 =	vor.u32 v30, v19;
	[tilespmem:s20+$0x0] =	vst v28;
	v8 =	vshll.u32 v8, $0x3;
	v13 =	vor.u32 v20, v23  }
.LBB2_2:
0x44: {  	v19 =	vld [tilespmem:s23+$0x30];
	s22 =	sadd.s32 $0x8, s22;
	v7 =	vand.u32 $0xFC00, v7;
	v0 =	vor.u32 v16, v0;
	v1 =	vor.u32 v17, v1;
	[tilespmem:s21+$0x30] =	vst v2  }
0x45: {  	v5 =	vand.u32 $0xFC00, v5;
	v6 =	vand.u32 $0xFC00, v6;
	v9 =	vand.u32 $0xFC00, v9;
	v2 =	vld [tilespmem:s23+$0xFFFFFFD0];
	p0 =	slt.u32 s22, $0xF8;
	[tilespmem:s20+$0x10] =	vst v3  }
0x46: {  	v8 =	vand.u32 $0xFC00, v8;
	v10 =	vand.u32 $0xFC00, v10;
	v11 =	vand.u32 $0xFC00, v11;
	v3 =	vld [tilespmem:s23+$0xFFFFFFE0];
	[tilespmem:s20+$0x20] =	vst v4;
	s20 =	smov.u32 s21  }
0x47: {  	v7 =	vor.u32 v7, v14;
	v5 =	vor.u32 v5, v12;
	v6 =	vor.u32 v6, v18;
	v4 =	vld [tilespmem:s23+$0xFFFFFFF0]  }
0x48: {  	v9 =	vor.u32 v9, v15;
	v8 =	vor.u32 v8, v13;
	v10 =	vor.u32 v10, v0;
	v12 =	vld [tilespmem:s23+$0x0]  }
0x49: {  	v11 =	vor.u32 v11, v1;
	v13 =	vld [tilespmem:s23+$0x10];
	v0 =	vshrl.u32 v19, $0x6  }
0x4a: {  	v1 =	vand.u32 $0x7F, v19;
	v14 =	vshll.u32 v19, $0x3;
	v15 =	vld [tilespmem:s23+$0x20];
	v0 =	vand.u32 $0x380, v0  }
0x4b: {  	v17 =	vshrl.u32 v2, $0x6;
	v14 =	vand.u32 $0xFC00, v14;
	v16 =	vld [tilespmem:s23+$0xFFFFFFC0];
	v0 =	vor.u32 v1, v0  }
0x4c: {  	v1 =	vshrl.u32 v3, $0x6;
	v18 =	vshrl.u32 v4, $0x6;
	v14 =	vor.u32 v14, v0;
	v19 =	vld.idx.msk [tilespmem:v7+s3+$0x0], $0xffff  }
0x4d: {  	v20 =	vand.u32 $0x380, v17;
	v21 =	vand.u32 $0x380, v1;
	v0 =	vshrl.u32 v12, $0x6;
	v17 =	vld.idx.msk [tilespmem:v5+s3+$0x0], $0xffff  }
0x4e: {  	v22 =	vand.u32 $0x380, v18;
	v23 =	vand.u32 $0x380, v0;
	v0 =	vshrl.u32 v13, $0x6;
	v18 =	vld.idx.msk [tilespmem:v6+s3+$0x0], $0xffff  }
0x4f: {  	v24 =	vand.u32 $0x7F, v2;
	v0 =	vand.u32 $0x380, v0;
	v1 =	vshrl.u32 v15, $0x6;
	v25 =	vld.idx.msk [tilespmem:v9+s3+$0x0], $0xffff  }
0x50: {  	v26 =	vand.u32 $0x7F, v16;
	v5 =	vshrl.u32 v16, $0x6;
	v1 =	vand.u32 $0x380, v1;
	v27 =	vld.idx.msk [tilespmem:v8+s3+$0x0], $0xffff  }
0x51: {  	v7 =	vshll.u32 v16, $0x3;
	v28 =	vand.u32 $0x380, v5;
	v5 =	vshll.u32 v2, $0x3;
	v2 =	vld.idx.msk [tilespmem:v14+s3+$0x0], $0xffff  }
.Ltmp0:
0x52: {  	v29 =	vand.u32 $0x7F, v3;
	v30 =	vand.u32 $0x7F, v4;
	v6 =	vshll.u32 v3, $0x3;
	[tilespmem:s21+$0xFFFFFFC0] =	vst v19;
	v3 =	vld.idx.msk [tilespmem:v10+s3+$0x0], $0xffff;
	(pc) =	sbr.rel @p0 .LBB2_2-.Ltmp0, $4  }
0x53: {  	v9 =	vshll.u32 v4, $0x3;
	v8 =	vshll.u32 v12, $0x3;
	v19 =	vand.u32 $0x7F, v12;
	[tilespmem:s21+$0xFFFFFFD0] =	vst v17;
	v4 =	vld.idx.msk [tilespmem:v11+s3+$0x0], $0xffff  }
0x54: {  	v16 =	vand.u32 $0x7F, v13;
	v10 =	vshll.u32 v13, $0x3;
	v17 =	vand.u32 $0x7F, v15;
	[tilespmem:s21+$0xFFFFFFE0] =	vst v18  }
0x55: {  	v14 =	vor.u32 v26, v28;
	v12 =	vor.u32 v24, v20;
	v11 =	vshll.u32 v15, $0x3;
	[tilespmem:s21+$0xFFFFFFF0] =	vst v25  }
0x56: {  	s23 =	sadd.s32 $0x80, s23;
	v15 =	vor.u32 v30, v22;
	v13 =	vor.u32 v19, v23;
	v18 =	vor.u32 v29, v21;
	s21 =	sadd.s32 $0x100, s21;
	[tilespmem:s20+$0x0] =	vst v27  }
0x57: {  	v7 =	vand.u32 $0xFC00, v7  }
0x58: {  	v5 =	vand.u32 $0xFC00, v5;
	v7 =	vor.u32 v7, v14  }
0x59: {  	v6 =	vand.u32 $0xFC00, v6;
	v5 =	vor.u32 v5, v12  }
0x5a: {  	v9 =	vand.u32 $0xFC00, v9;
	v6 =	vor.u32 v6, v18  }
0x5b: {  	v8 =	vand.u32 $0xFC00, v8;
	v9 =	vor.u32 v9, v15  }
0x5c: {  	v0 =	vor.u32 v16, v0;
	v10 =	vand.u32 $0xFC00, v10;
	v8 =	vor.u32 v8, v13  }
0x5d: {  	v1 =	vor.u32 v17, v1;
	v11 =	vand.u32 $0xFC00, v11;
	v0 =	vor.u32 v10, v0;
	v7 =	vld.idx.msk [tilespmem:v7+s3+$0x0], $0xffff  }
0x5e: {  	v1 =	vor.u32 v11, v1;
	v5 =	vld.idx.msk [tilespmem:v5+s3+$0x0], $0xffff  }
0x5f: {  	[tilespmem:s21+$0x30] =	vst v2;
	v61 =	vld.idx.msk [tilespmem:v6+s3+$0x0], $0xffff  }
0x60: {  	[tilespmem:s20+$0x10] =	vst v3;
	v62 =	vld.idx.msk [tilespmem:v9+s3+$0x0], $0xffff  }
0x61: {  	[tilespmem:s20+$0x20] =	vst v4;
	v63 =	vld.idx.msk [tilespmem:v8+s3+$0x0], $0xffff  }
0x62: {  	v0 =	vld.idx.msk [tilespmem:v0+s3+$0x0], $0xffff;
	[tilespmem:s21+$0xFFFFFFC0] =	vst v7  }
0x63: {  	v1 =	vld.idx.msk [tilespmem:v1+s3+$0x0], $0xffff;
	[tilespmem:s21+$0xFFFFFFD0] =	vst v5  }
0x64: {  	[tilespmem:s21+$0xFFFFFFE0] =	vst v61  }
0x65: {  	[tilespmem:s21+$0xFFFFFFF0] =	vst v62  }
0x66: {  	[tilespmem:s21+$0x0] =	vst v63  }
0x67: {  	[tilespmem:s21+$0x10] =	vst v0  }
0x68: {  	s20 =	simm.s32 $0x0;
	[tilespmem:s21+$0x20] =	vst v1;
	s21 =	simm.s32 $0x1C800  }
.LBB2_4:
0x69: {  	p0 =	sne.s32 s20, $0xF80  }
.Ltmp1:
0x6a: {  	_ = 	snop;
	(pc) =	sbr.rel @p0 .LBB2_4-.Ltmp1, $4  }
0x6b: {  	_ = 	snop  }
0x6c: {  	s22 =	sadd.s32 s20, s5  }
0x6d: {  	[hbm4b:s22+s3] =	stream.linear.scatter [tilespmem:s21], [sflag:$0x3], $0x80, $0x38;
	[tilespmem:$0x1E800] =	vst v63  }
0x6e: {  	s20 =	sadd.s32 $0x80, s20;
	s21 =	sadd.s32 $0x100, s21  }
0x6f: {  	s20 =	simm.s32 $0x19870  }
0x70: {  	v0 =	vld [tilespmem:s20+$0x0]  }
0x71: {  	v1 =	vld [tilespmem:s20+$0xFFFFFFA0]  }
0x72: {  	v3 =	vld [tilespmem:s20+$0xFFFFFFC0]  }
0x73: {  	v5 =	vld [tilespmem:s20+$0xFFFFFFE0]  }
0x74: {  	v7 =	vld [tilespmem:s20+$0xFFFFFFF0]  }
0x75: {  	v9 =	vld [tilespmem:s20+$0xFFFFFF90];
	_ =	sdelay $0x1  }
0x76: {  	v2 =	vld [tilespmem:s20+$0xFFFFFFB0]  }
0x77: {  	v4 =	vld [tilespmem:s20+$0xFFFFFFD0];
	v6 =	vshrl.u32 v0, $0x6;
	v8 =	vand.u32 $0x7F, v0;
	v0 =	vshll.u32 v0, $0x3  }
0x78: {  	v10 =	vshrl.u32 v1, $0x6;
	v11 =	vshrl.u32 v3, $0x6;
	v12 =	vshrl.u32 v5, $0x6  }
0x79: {  	v13 =	vand.u32 $0x7F, v1;
	v14 =	vshrl.u32 v7, $0x6;
	v15 =	vand.u32 $0x7F, v9  }
0x7a: {  	v16 =	vshrl.u32 v9, $0x6;
	v9 =	vshll.u32 v9, $0x3;
	v1 =	vshll.u32 v1, $0x3  }
0x7b: {  	v17 =	vand.u32 $0x7F, v2;
	v18 =	vand.u32 $0x7F, v3;
	v3 =	vshll.u32 v3, $0x3  }
0x7c: {  	v19 =	vand.u32 $0x7F, v4;
	v20 =	vand.u32 $0x7F, v5;
	v5 =	vshll.u32 v5, $0x3  }
0x7d: {  	v21 =	vand.u32 $0x7F, v7;
	v7 =	vshll.u32 v7, $0x3;
	v6 =	vand.u32 $0x380, v6  }
0x7e: {  	v0 =	vand.u32 $0xFC00, v0;
	v11 =	vand.u32 $0x380, v11;
	v12 =	vand.u32 $0x380, v12  }
0x7f: {  	v14 =	vand.u32 $0x380, v14;
	v16 =	vand.u32 $0x380, v16;
	v9 =	vand.u32 $0xFC00, v9  }
0x80: {  	s31 =	simm.s32 $0x198F0;
	v1 =	vand.u32 $0xFC00, v1;
	v3 =	vand.u32 $0xFC00, v3;
	v5 =	vand.u32 $0xFC00, v5  }
0x81: {  	v7 =	vand.u32 $0xFC00, v7;
	v6 =	vor.u32 v8, v6;
	v15 =	vor.u32 v15, v16;
	v16 =	vld [tilespmem:s31+$0xFFFFFFA0]  }
0x82: {  	v8 =	vshrl.u32 v2, $0x6;
	v2 =	vshll.u32 v2, $0x3;
	v11 =	vor.u32 v18, v11;
	v18 =	vld [tilespmem:s31+$0xFFFFFFC0]  }
0x83: {  	v0 =	vor.u32 v0, v6;
	v9 =	vor.u32 v9, v15;
	v3 =	vor.u32 v3, v11;
	v11 =	vld [tilespmem:s31+$0xFFFFFFE0]  }
0x84: {  	v6 =	vand.u32 $0x380, v10;
	v8 =	vand.u32 $0x380, v8;
	v10 =	vshrl.u32 v4, $0x6;
	v15 =	vld [tilespmem:s31+$0xFFFFFFF0]  }
0x85: {  	v4 =	vshll.u32 v4, $0x3;
	v2 =	vand.u32 $0xFC00, v2;
	v6 =	vor.u32 v13, v6;
	v13 =	vld [tilespmem:s31+$0x0]  }
0x86: {  	v10 =	vand.u32 $0x380, v10;
	v8 =	vor.u32 v17, v8;
	v17 =	vld [tilespmem:s31+$0xFFFFFFB0];
	v1 =	vor.u32 v1, v6  }
0x87: {  	v4 =	vand.u32 $0xFC00, v4;
	v10 =	vor.u32 v19, v10;
	v2 =	vor.u32 v2, v8;
	v8 =	vld [tilespmem:s31+$0xFFFFFFD0]  }
0x88: {  	v12 =	vor.u32 v20, v12;
	v14 =	vor.u32 v21, v14;
	v4 =	vor.u32 v4, v10;
	v9 =	vld.idx.msk [tilespmem:v9+s3+$0x0], $0xffff  }
0x89: {  	v10 =	vor.u32 v5, v12;
	v12 =	vor.u32 v7, v14;
	v14 =	vshrl.u32 v16, $0x6;
	v26 =	vld.idx.msk [tilespmem:v3+s3+$0x0], $0xffff  }
0x8a: {  	v5 =	vshrl.u32 v13, $0x6;
	v6 =	vand.u32 $0x7F, v13;
	v7 =	vshll.u32 v13, $0x3;
	v13 =	vld [tilespmem:s31+$0xFFFFFF90]  }
0x8b: {  	v19 =	vshrl.u32 v18, $0x6;
	v63 =	vand.u32 $0x380, v14;
	v5 =	vand.u32 $0x380, v5;
	v14 =	vld.idx.msk [tilespmem:v1+s3+$0x0], $0xffff  }
0x8c: {  	v25 =	vand.u32 $0x7F, v16;
	v7 =	vand.u32 $0xFC00, v7;
	v5 =	vor.u32 v6, v5;
	v6 =	vld.idx.msk [tilespmem:v0+s3+$0x0], $0xffff  }
0x8d: {  	v30 =	vand.u32 $0x7F, v18;
	v19 =	vand.u32 $0x380, v19;
	v28 =	vld.idx.msk [tilespmem:v4+s3+$0x0], $0xffff;
	v20 =	vor.u32 v7, v5  }
0x8e: {  	v29 =	vand.u32 $0x7F, v17;
	v1 =	vshrl.u32 v15, $0x6;
	v0 =	vshrl.u32 v17, $0x6;
	v3 =	vld.idx.msk [tilespmem:v10+s3+$0x0], $0xffff  }
0x8f: {  	v1 =	vand.u32 $0x380, v1;
	v10 =	vshll.u32 v11, $0x3;
	v4 =	vld.idx.msk [tilespmem:v12+s3+$0x0], $0xffff;
	v12 =	vor.u32 v25, v63  }
0x90: {  	s20 =	simm.s32 $0x1C8F0;
	v24 =	vld.idx.msk [tilespmem:v2+s3+$0x0], $0xffff;
	v22 =	vand.u32 $0x380, v0;
	v0 =	vshrl.u32 v8, $0x6;
	v5 =	vshll.u32 v16, $0x3  }
0x91: {  	v16 =	vand.u32 $0x7F, v11;
	v23 =	vand.u32 $0x380, v0;
	[tilespmem:s20+$0xFFFFFF90] =	vst v9;
	v2 =	vshrl.u32 v13, $0x6  }
0x92: {  	[tilespmem:s20+$0xFFFFFFC0] =	vst v26;
	v27 =	vand.u32 $0x7F, v13;
	v7 =	vshll.u32 v13, $0x3;
	v13 =	vand.u32 $0x380, v2;
	v2 =	vld.idx.msk [tilespmem:v20+s3+$0x0], $0xffff  }
0x93: {  	v0 =	vshrl.u32 v11, $0x6;
	v9 =	vshll.u32 v18, $0x3;
	v11 =	vshll.u32 v15, $0x3;
	[tilespmem:s20+$0xFFFFFFA0] =	vst v14  }
0x94: {  	v18 =	vor.u32 v29, v22;
	v0 =	vand.u32 $0x380, v0;
	[tilespmem:s20+$0x0] =	vst v6;
	v6 =	vshll.u32 v17, $0x3  }
0x95: {  	[tilespmem:s20+$0xFFFFFFB0] =	vst v24;
	v17 =	vand.u32 $0x7F, v15;
	v14 =	vor.u32 v27, v13;
	v20 =	vand.u32 $0x7F, v8  }
0x96: {  	s22 =	simm.s32 $0x8;
	s23 =	simm.s32 $0x19970;
	s21 =	simm.s32 $0x1C9F0;
	v15 =	vor.u32 v30, v19;
	[tilespmem:s20+$0xFFFFFFD0] =	vst v28;
	v8 =	vshll.u32 v8, $0x3;
	v13 =	vor.u32 v20, v23  }
.LBB2_6:
0x97: {  	v19 =	vld [tilespmem:s23+$0x0];
	s22 =	sadd.s32 $0x8, s22;
	v7 =	vand.u32 $0xFC00, v7;
	v0 =	vor.u32 v16, v0;
	v1 =	vor.u32 v17, v1;
	[tilespmem:s21+$0x0] =	vst v2  }
0x98: {  	v5 =	vand.u32 $0xFC00, v5;
	v6 =	vand.u32 $0xFC00, v6;
	v9 =	vand.u32 $0xFC00, v9;
	v2 =	vld [tilespmem:s23+$0xFFFFFFA0];
	p0 =	slt.u32 s22, $0xF8;
	[tilespmem:s20+$0xFFFFFFE0] =	vst v3  }
0x99: {  	v8 =	vand.u32 $0xFC00, v8;
	v10 =	vand.u32 $0xFC00, v10;
	v11 =	vand.u32 $0xFC00, v11;
	v3 =	vld [tilespmem:s23+$0xFFFFFFB0];
	[tilespmem:s20+$0xFFFFFFF0] =	vst v4;
	s20 =	smov.u32 s21  }
0x9a: {  	v7 =	vor.u32 v7, v14;
	v5 =	vor.u32 v5, v12;
	v6 =	vor.u32 v6, v18;
	v4 =	vld [tilespmem:s23+$0xFFFFFFC0]  }
0x9b: {  	v9 =	vor.u32 v9, v15;
	v8 =	vor.u32 v8, v13;
	v10 =	vor.u32 v10, v0;
	v12 =	vld [tilespmem:s23+$0xFFFFFFD0]  }
0x9c: {  	v11 =	vor.u32 v11, v1;
	v13 =	vld [tilespmem:s23+$0xFFFFFFE0];
	v0 =	vshrl.u32 v19, $0x6  }
0x9d: {  	v1 =	vand.u32 $0x7F, v19;
	v14 =	vshll.u32 v19, $0x3;
	v15 =	vld [tilespmem:s23+$0xFFFFFFF0];
	v0 =	vand.u32 $0x380, v0  }
0x9e: {  	v17 =	vshrl.u32 v2, $0x6;
	v14 =	vand.u32 $0xFC00, v14;
	v16 =	vld [tilespmem:s23+$0xFFFFFF90];
	v0 =	vor.u32 v1, v0  }
0x9f: {  	v1 =	vshrl.u32 v3, $0x6;
	v18 =	vshrl.u32 v4, $0x6;
	v14 =	vor.u32 v14, v0;
	v19 =	vld.idx.msk [tilespmem:v7+s3+$0x0], $0xffff  }
0xa0: {  	v20 =	vand.u32 $0x380, v17;
	v21 =	vand.u32 $0x380, v1;
	v0 =	vshrl.u32 v12, $0x6;
	v17 =	vld.idx.msk [tilespmem:v5+s3+$0x0], $0xffff  }
0xa1: {  	v22 =	vand.u32 $0x380, v18;
	v23 =	vand.u32 $0x380, v0;
	v0 =	vshrl.u32 v13, $0x6;
	v18 =	vld.idx.msk [tilespmem:v6+s3+$0x0], $0xffff  }
0xa2: {  	v24 =	vand.u32 $0x7F, v2;
	v0 =	vand.u32 $0x380, v0;
	v1 =	vshrl.u32 v15, $0x6;
	v25 =	vld.idx.msk [tilespmem:v9+s3+$0x0], $0xffff  }
0xa3: {  	v26 =	vand.u32 $0x7F, v16;
	v5 =	vshrl.u32 v16, $0x6;
	v1 =	vand.u32 $0x380, v1;
	v27 =	vld.idx.msk [tilespmem:v8+s3+$0x0], $0xffff  }
0xa4: {  	v7 =	vshll.u32 v16, $0x3;
	v28 =	vand.u32 $0x380, v5;
	v5 =	vshll.u32 v2, $0x3;
	v2 =	vld.idx.msk [tilespmem:v14+s3+$0x0], $0xffff  }
.Ltmp2:
0xa5: {  	v29 =	vand.u32 $0x7F, v3;
	v30 =	vand.u32 $0x7F, v4;
	v6 =	vshll.u32 v3, $0x3;
	[tilespmem:s21+$0xFFFFFF90] =	vst v19;
	v3 =	vld.idx.msk [tilespmem:v10+s3+$0x0], $0xffff;
	(pc) =	sbr.rel @p0 .LBB2_6-.Ltmp2, $4  }
0xa6: {  	v9 =	vshll.u32 v4, $0x3;
	v8 =	vshll.u32 v12, $0x3;
	v19 =	vand.u32 $0x7F, v12;
	[tilespmem:s21+$0xFFFFFFA0] =	vst v17;
	v4 =	vld.idx.msk [tilespmem:v11+s3+$0x0], $0xffff  }
0xa7: {  	v16 =	vand.u32 $0x7F, v13;
	v10 =	vshll.u32 v13, $0x3;
	v17 =	vand.u32 $0x7F, v15;
	[tilespmem:s21+$0xFFFFFFB0] =	vst v18  }
0xa8: {  	v14 =	vor.u32 v26, v28;
	v12 =	vor.u32 v24, v20;
	v11 =	vshll.u32 v15, $0x3;
	[tilespmem:s21+$0xFFFFFFC0] =	vst v25  }
0xa9: {  	s23 =	sadd.s32 $0x80, s23;
	v15 =	vor.u32 v30, v22;
	v13 =	vor.u32 v19, v23;
	v18 =	vor.u32 v29, v21;
	s21 =	sadd.s32 $0x100, s21;
	[tilespmem:s20+$0xFFFFFFD0] =	vst v27  }
0xaa: {  	v7 =	vand.u32 $0xFC00, v7  }
0xab: {  	v5 =	vand.u32 $0xFC00, v5;
	v7 =	vor.u32 v7, v14  }
0xac: {  	v6 =	vand.u32 $0xFC00, v6;
	v5 =	vor.u32 v5, v12  }
0xad: {  	v9 =	vand.u32 $0xFC00, v9;
	v6 =	vor.u32 v6, v18  }
0xae: {  	v8 =	vand.u32 $0xFC00, v8;
	v9 =	vor.u32 v9, v15  }
0xaf: {  	v0 =	vor.u32 v16, v0;
	v10 =	vand.u32 $0xFC00, v10;
	v8 =	vor.u32 v8, v13  }
0xb0: {  	v1 =	vor.u32 v17, v1;
	v11 =	vand.u32 $0xFC00, v11;
	v0 =	vor.u32 v10, v0;
	v7 =	vld.idx.msk [tilespmem:v7+s3+$0x0], $0xffff  }
0xb1: {  	v1 =	vor.u32 v11, v1;
	v5 =	vld.idx.msk [tilespmem:v5+s3+$0x0], $0xffff  }
0xb2: {  	[tilespmem:s21+$0x0] =	vst v2;
	v61 =	vld.idx.msk [tilespmem:v6+s3+$0x0], $0xffff  }
0xb3: {  	[tilespmem:s20+$0xFFFFFFE0] =	vst v3;
	v62 =	vld.idx.msk [tilespmem:v9+s3+$0x0], $0xffff  }
0xb4: {  	[tilespmem:s20+$0xFFFFFFF0] =	vst v4;
	v63 =	vld.idx.msk [tilespmem:v8+s3+$0x0], $0xffff  }
0xb5: {  	v0 =	vld.idx.msk [tilespmem:v0+s3+$0x0], $0xffff;
	[tilespmem:s21+$0xFFFFFF90] =	vst v7  }
0xb6: {  	v1 =	vld.idx.msk [tilespmem:v1+s3+$0x0], $0xffff;
	[tilespmem:s21+$0xFFFFFFA0] =	vst v5  }
0xb7: {  	[tilespmem:s21+$0xFFFFFFB0] =	vst v61  }
0xb8: {  	[tilespmem:s21+$0xFFFFFFC0] =	vst v62  }
0xb9: {  	[tilespmem:s21+$0xFFFFFFD0] =	vst v63  }
0xba: {  	s23 =	sadd.s32 $0x0, s6;
	[tilespmem:s21+$0xFFFFFFE0] =	vst v0  }
0xbb: {  	s22 =	simm.s32 $0x1C980;
	s20 =	simm.s32 $0x1C880;
	[tilespmem:s21+$0xFFFFFFF0] =	vst v1;
	s21 =	simm.s32 $0x80  }
.LBB2_8:
0xbc: {  	[hbm4b:s23+s3] =	stream.linear.scatter [tilespmem:s20], [sflag:$0x3], $0x80, $0x38;
	[tilespmem:$0x1E800] =	vst v63  }
0xbd: {  	s23 =	smov.u32 s21;
	s20 =	smov.u32 s22;
	p0 =	sne.s32 s21, $0xF80  }
.Ltmp3:
0xbe: {  	s21 =	sadd.s32 $0x80, s21;
	(pc) =	sbr.rel @p0 .LBB2_8-.Ltmp3, $2  }
0xbf: {  	_ =	sdelay $0x2  }
0xc0: {  	s22 =	sadd.s32 $0x100, s22;
	s23 =	sadd.s32 s23, s6  }
0xc1: {  	[hbm4b:s23+s3] =	stream.linear.scatter [tilespmem:s20], [sflag:$0x3], $0x80, $0x38;
	[tilespmem:$0x1E800] =	vst v63  }
0xc2: {  	_ =	swait.ge [sflag:s18], $0x1000  }
0xc3: {  	[sflag:s18] =	ssyncset.done $0x0  }
0xc4: {  	s30 =	simm.s32 $0x1A870;
	[sflag:s18] =	ssyncadd.s32 $0xFFFFF000  }
0xc5: {  	v0 =	vld [tilespmem:s30+$0x0]  }
0xc6: {  	v1 =	vld [tilespmem:s30+$0xFFFFFFA0]  }
0xc7: {  	v3 =	vld [tilespmem:s30+$0xFFFFFFC0]  }
0xc8: {  	v5 =	vld [tilespmem:s30+$0xFFFFFFE0]  }
0xc9: {  	v7 =	vld [tilespmem:s30+$0xFFFFFFF0]  }
0xca: {  	v9 =	vld [tilespmem:s30+$0xFFFFFF90];
	_ =	sdelay $0x1  }
0xcb: {  	v2 =	vld [tilespmem:s30+$0xFFFFFFB0]  }
0xcc: {  	v4 =	vld [tilespmem:s30+$0xFFFFFFD0];
	v6 =	vshrl.u32 v0, $0x6;
	v8 =	vand.u32 $0x7F, v0;
	v0 =	vshll.u32 v0, $0x3  }
0xcd: {  	v10 =	vshrl.u32 v1, $0x6;
	v11 =	vshrl.u32 v3, $0x6;
	v12 =	vshrl.u32 v5, $0x6  }
0xce: {  	v13 =	vand.u32 $0x7F, v1;
	v14 =	vshrl.u32 v7, $0x6;
	v15 =	vand.u32 $0x7F, v9  }
0xcf: {  	v16 =	vshrl.u32 v9, $0x6;
	v9 =	vshll.u32 v9, $0x3;
	v1 =	vshll.u32 v1, $0x3  }
0xd0: {  	v17 =	vand.u32 $0x7F, v2;
	v18 =	vand.u32 $0x7F, v3;
	v3 =	vshll.u32 v3, $0x3  }
0xd1: {  	v19 =	vand.u32 $0x7F, v4;
	v20 =	vand.u32 $0x7F, v5;
	v5 =	vshll.u32 v5, $0x3  }
0xd2: {  	v21 =	vand.u32 $0x7F, v7;
	v7 =	vshll.u32 v7, $0x3;
	v6 =	vand.u32 $0x380, v6  }
0xd3: {  	v0 =	vand.u32 $0xFC00, v0;
	v11 =	vand.u32 $0x380, v11;
	v12 =	vand.u32 $0x380, v12  }
0xd4: {  	v14 =	vand.u32 $0x380, v14;
	v16 =	vand.u32 $0x380, v16;
	v9 =	vand.u32 $0xFC00, v9  }
0xd5: {  	s31 =	simm.s32 $0x1A8F0;
	v1 =	vand.u32 $0xFC00, v1;
	v3 =	vand.u32 $0xFC00, v3;
	v5 =	vand.u32 $0xFC00, v5  }
0xd6: {  	v7 =	vand.u32 $0xFC00, v7;
	v6 =	vor.u32 v8, v6;
	v15 =	vor.u32 v15, v16;
	v16 =	vld [tilespmem:s31+$0xFFFFFFA0]  }
0xd7: {  	v8 =	vshrl.u32 v2, $0x6;
	v2 =	vshll.u32 v2, $0x3;
	v11 =	vor.u32 v18, v11;
	v18 =	vld [tilespmem:s31+$0xFFFFFFC0]  }
0xd8: {  	v0 =	vor.u32 v0, v6;
	v9 =	vor.u32 v9, v15;
	v3 =	vor.u32 v3, v11;
	v11 =	vld [tilespmem:s31+$0xFFFFFFE0]  }
0xd9: {  	v6 =	vand.u32 $0x380, v10;
	v8 =	vand.u32 $0x380, v8;
	v10 =	vshrl.u32 v4, $0x6;
	v15 =	vld [tilespmem:s31+$0xFFFFFFF0]  }
0xda: {  	v4 =	vshll.u32 v4, $0x3;
	v2 =	vand.u32 $0xFC00, v2;
	v6 =	vor.u32 v13, v6;
	v13 =	vld [tilespmem:s31+$0x0]  }
0xdb: {  	v10 =	vand.u32 $0x380, v10;
	v8 =	vor.u32 v17, v8;
	v17 =	vld [tilespmem:s31+$0xFFFFFFB0];
	v1 =	vor.u32 v1, v6  }
0xdc: {  	v4 =	vand.u32 $0xFC00, v4;
	v10 =	vor.u32 v19, v10;
	v2 =	vor.u32 v2, v8;
	v8 =	vld [tilespmem:s31+$0xFFFFFFD0]  }
0xdd: {  	v12 =	vor.u32 v20, v12;
	v14 =	vor.u32 v21, v14;
	v4 =	vor.u32 v4, v10;
	v9 =	vld.idx.msk [tilespmem:v9+s3+$0x0], $0xffff  }
0xde: {  	v10 =	vor.u32 v5, v12;
	v12 =	vor.u32 v7, v14;
	v14 =	vshrl.u32 v16, $0x6;
	v26 =	vld.idx.msk [tilespmem:v3+s3+$0x0], $0xffff  }
0xdf: {  	v5 =	vshrl.u32 v13, $0x6;
	v6 =	vand.u32 $0x7F, v13;
	v7 =	vshll.u32 v13, $0x3;
	v13 =	vld [tilespmem:s31+$0xFFFFFF90]  }
0xe0: {  	v19 =	vshrl.u32 v18, $0x6;
	v63 =	vand.u32 $0x380, v14;
	v5 =	vand.u32 $0x380, v5;
	v14 =	vld.idx.msk [tilespmem:v1+s3+$0x0], $0xffff  }
0xe1: {  	v25 =	vand.u32 $0x7F, v16;
	v7 =	vand.u32 $0xFC00, v7;
	v5 =	vor.u32 v6, v5;
	v6 =	vld.idx.msk [tilespmem:v0+s3+$0x0], $0xffff  }
0xe2: {  	v30 =	vand.u32 $0x7F, v18;
	v19 =	vand.u32 $0x380, v19;
	v28 =	vld.idx.msk [tilespmem:v4+s3+$0x0], $0xffff;
	v20 =	vor.u32 v7, v5  }
0xe3: {  	v29 =	vand.u32 $0x7F, v17;
	v1 =	vshrl.u32 v15, $0x6;
	v0 =	vshrl.u32 v17, $0x6;
	v3 =	vld.idx.msk [tilespmem:v10+s3+$0x0], $0xffff  }
0xe4: {  	v1 =	vand.u32 $0x380, v1;
	v10 =	vshll.u32 v11, $0x3;
	v4 =	vld.idx.msk [tilespmem:v12+s3+$0x0], $0xffff;
	v12 =	vor.u32 v25, v63  }
0xe5: {  	s20 =	simm.s32 $0x1C840;
	v24 =	vld.idx.msk [tilespmem:v2+s3+$0x0], $0xffff;
	v22 =	vand.u32 $0x380, v0;
	v0 =	vshrl.u32 v8, $0x6;
	v5 =	vshll.u32 v16, $0x3  }
0xe6: {  	v16 =	vand.u32 $0x7F, v11;
	v23 =	vand.u32 $0x380, v0;
	[tilespmem:s20+$0xFFFFFFC0] =	vst v9;
	v2 =	vshrl.u32 v13, $0x6  }
0xe7: {  	[tilespmem:s20+$0xFFFFFFF0] =	vst v26;
	v27 =	vand.u32 $0x7F, v13;
	v7 =	vshll.u32 v13, $0x3;
	v13 =	vand.u32 $0x380, v2;
	v2 =	vld.idx.msk [tilespmem:v20+s3+$0x0], $0xffff  }
0xe8: {  	v0 =	vshrl.u32 v11, $0x6;
	v9 =	vshll.u32 v18, $0x3;
	v11 =	vshll.u32 v15, $0x3;
	[tilespmem:s20+$0xFFFFFFD0] =	vst v14  }
0xe9: {  	v18 =	vor.u32 v29, v22;
	v0 =	vand.u32 $0x380, v0;
	[tilespmem:s20+$0x30] =	vst v6;
	v6 =	vshll.u32 v17, $0x3  }
0xea: {  	[tilespmem:s20+$0xFFFFFFE0] =	vst v24;
	v17 =	vand.u32 $0x7F, v15;
	v14 =	vor.u32 v27, v13;
	v20 =	vand.u32 $0x7F, v8  }
0xeb: {  	s22 =	simm.s32 $0x8;
	s23 =	simm.s32 $0x1A970;
	s21 =	simm.s32 $0x1C940;
	v15 =	vor.u32 v30, v19;
	[tilespmem:s20+$0x0] =	vst v28;
	v8 =	vshll.u32 v8, $0x3;
	v13 =	vor.u32 v20, v23  }
.LBB2_10:
0xec: {  	v19 =	vld [tilespmem:s23+$0x0];
	s22 =	sadd.s32 $0x8, s22;
	v7 =	vand.u32 $0xFC00, v7;
	v0 =	vor.u32 v16, v0;
	v1 =	vor.u32 v17, v1;
	[tilespmem:s21+$0x30] =	vst v2  }
0xed: {  	v5 =	vand.u32 $0xFC00, v5;
	v6 =	vand.u32 $0xFC00, v6;
	v9 =	vand.u32 $0xFC00, v9;
	v2 =	vld [tilespmem:s23+$0xFFFFFFA0];
	p0 =	slt.u32 s22, $0xF8;
	[tilespmem:s20+$0x10] =	vst v3  }
0xee: {  	v8 =	vand.u32 $0xFC00, v8;
	v10 =	vand.u32 $0xFC00, v10;
	v11 =	vand.u32 $0xFC00, v11;
	v3 =	vld [tilespmem:s23+$0xFFFFFFB0];
	[tilespmem:s20+$0x20] =	vst v4;
	s20 =	smov.u32 s21  }
0xef: {  	v7 =	vor.u32 v7, v14;
	v5 =	vor.u32 v5, v12;
	v6 =	vor.u32 v6, v18;
	v4 =	vld [tilespmem:s23+$0xFFFFFFC0]  }
0xf0: {  	v9 =	vor.u32 v9, v15;
	v8 =	vor.u32 v8, v13;
	v10 =	vor.u32 v10, v0;
	v12 =	vld [tilespmem:s23+$0xFFFFFFD0]  }
0xf1: {  	v11 =	vor.u32 v11, v1;
	v13 =	vld [tilespmem:s23+$0xFFFFFFE0];
	v0 =	vshrl.u32 v19, $0x6  }
0xf2: {  	v1 =	vand.u32 $0x7F, v19;
	v14 =	vshll.u32 v19, $0x3;
	v15 =	vld [tilespmem:s23+$0xFFFFFFF0];
	v0 =	vand.u32 $0x380, v0  }
0xf3: {  	v17 =	vshrl.u32 v2, $0x6;
	v14 =	vand.u32 $0xFC00, v14;
	v16 =	vld [tilespmem:s23+$0xFFFFFF90];
	v0 =	vor.u32 v1, v0  }
0xf4: {  	v1 =	vshrl.u32 v3, $0x6;
	v18 =	vshrl.u32 v4, $0x6;
	v14 =	vor.u32 v14, v0;
	v19 =	vld.idx.msk [tilespmem:v7+s3+$0x0], $0xffff  }
0xf5: {  	v20 =	vand.u32 $0x380, v17;
	v21 =	vand.u32 $0x380, v1;
	v0 =	vshrl.u32 v12, $0x6;
	v17 =	vld.idx.msk [tilespmem:v5+s3+$0x0], $0xffff  }
0xf6: {  	v22 =	vand.u32 $0x380, v18;
	v23 =	vand.u32 $0x380, v0;
	v0 =	vshrl.u32 v13, $0x6;
	v18 =	vld.idx.msk [tilespmem:v6+s3+$0x0], $0xffff  }
0xf7: {  	v24 =	vand.u32 $0x7F, v2;
	v0 =	vand.u32 $0x380, v0;
	v1 =	vshrl.u32 v15, $0x6;
	v25 =	vld.idx.msk [tilespmem:v9+s3+$0x0], $0xffff  }
0xf8: {  	v26 =	vand.u32 $0x7F, v16;
	v5 =	vshrl.u32 v16, $0x6;
	v1 =	vand.u32 $0x380, v1;
	v27 =	vld.idx.msk [tilespmem:v8+s3+$0x0], $0xffff  }
0xf9: {  	v7 =	vshll.u32 v16, $0x3;
	v28 =	vand.u32 $0x380, v5;
	v5 =	vshll.u32 v2, $0x3;
	v2 =	vld.idx.msk [tilespmem:v14+s3+$0x0], $0xffff  }
.Ltmp4:
0xfa: {  	v29 =	vand.u32 $0x7F, v3;
	v30 =	vand.u32 $0x7F, v4;
	v6 =	vshll.u32 v3, $0x3;
	[tilespmem:s21+$0xFFFFFFC0] =	vst v19;
	v3 =	vld.idx.msk [tilespmem:v10+s3+$0x0], $0xffff;
	(pc) =	sbr.rel @p0 .LBB2_10-.Ltmp4, $4  }
0xfb: {  	v9 =	vshll.u32 v4, $0x3;
	v8 =	vshll.u32 v12, $0x3;
	v19 =	vand.u32 $0x7F, v12;
	[tilespmem:s21+$0xFFFFFFD0] =	vst v17;
	v4 =	vld.idx.msk [tilespmem:v11+s3+$0x0], $0xffff  }
0xfc: {  	v16 =	vand.u32 $0x7F, v13;
	v10 =	vshll.u32 v13, $0x3;
	v17 =	vand.u32 $0x7F, v15;
	[tilespmem:s21+$0xFFFFFFE0] =	vst v18  }
0xfd: {  	v14 =	vor.u32 v26, v28;
	v12 =	vor.u32 v24, v20;
	v11 =	vshll.u32 v15, $0x3;
	[tilespmem:s21+$0xFFFFFFF0] =	vst v25  }
0xfe: {  	s23 =	sadd.s32 $0x80, s23;
	v15 =	vor.u32 v30, v22;
	v13 =	vor.u32 v19, v23;
	v18 =	vor.u32 v29, v21;
	s21 =	sadd.s32 $0x100, s21;
	[tilespmem:s20+$0x0] =	vst v27  }
0xff: {  	v7 =	vand.u32 $0xFC00, v7  }
0x100: {  	v5 =	vand.u32 $0xFC00, v5;
	v7 =	vor.u32 v7, v14  }
0x101: {  	v6 =	vand.u32 $0xFC00, v6;
	v5 =	vor.u32 v5, v12  }
0x102: {  	v9 =	vand.u32 $0xFC00, v9;
	v6 =	vor.u32 v6, v18  }
0x103: {  	v8 =	vand.u32 $0xFC00, v8;
	v9 =	vor.u32 v9, v15  }
0x104: {  	v0 =	vor.u32 v16, v0;
	v10 =	vand.u32 $0xFC00, v10;
	v8 =	vor.u32 v8, v13  }
0x105: {  	v1 =	vor.u32 v17, v1;
	v11 =	vand.u32 $0xFC00, v11;
	v0 =	vor.u32 v10, v0;
	v7 =	vld.idx.msk [tilespmem:v7+s3+$0x0], $0xffff  }
0x106: {  	v1 =	vor.u32 v11, v1;
	v5 =	vld.idx.msk [tilespmem:v5+s3+$0x0], $0xffff  }
0x107: {  	[tilespmem:s21+$0x30] =	vst v2;
	v61 =	vld.idx.msk [tilespmem:v6+s3+$0x0], $0xffff  }
0x108: {  	[tilespmem:s20+$0x10] =	vst v3;
	v62 =	vld.idx.msk [tilespmem:v9+s3+$0x0], $0xffff  }
0x109: {  	[tilespmem:s20+$0x20] =	vst v4;
	v63 =	vld.idx.msk [tilespmem:v8+s3+$0x0], $0xffff  }
0x10a: {  	v0 =	vld.idx.msk [tilespmem:v0+s3+$0x0], $0xffff;
	[tilespmem:s21+$0xFFFFFFC0] =	vst v7  }
0x10b: {  	v1 =	vld.idx.msk [tilespmem:v1+s3+$0x0], $0xffff;
	[tilespmem:s21+$0xFFFFFFD0] =	vst v5  }
0x10c: {  	[tilespmem:s21+$0xFFFFFFE0] =	vst v61  }
0x10d: {  	[tilespmem:s21+$0xFFFFFFF0] =	vst v62  }
0x10e: {  	[tilespmem:s21+$0x0] =	vst v63  }
0x10f: {  	s23 =	sadd.s32 $0x0, s7;
	[tilespmem:s21+$0x10] =	vst v0  }
0x110: {  	s22 =	simm.s32 $0x1C900;
	s20 =	simm.s32 $0x1C800;
	[tilespmem:s21+$0x20] =	vst v1;
	s21 =	simm.s32 $0x80  }
.LBB2_12:
0x111: {  	[hbm4b:s23+s3] =	stream.linear.scatter [tilespmem:s20], [sflag:$0x3], $0x80, $0x38;
	[tilespmem:$0x1E800] =	vst v63  }
0x112: {  	s23 =	smov.u32 s21;
	s20 =	smov.u32 s22;
	p0 =	sne.s32 s21, $0xF80  }
.Ltmp5:
0x113: {  	s21 =	sadd.s32 $0x80, s21;
	(pc) =	sbr.rel @p0 .LBB2_12-.Ltmp5, $2  }
0x114: {  	_ =	sdelay $0x2  }
0x115: {  	s22 =	sadd.s32 $0x100, s22;
	s23 =	sadd.s32 s23, s7  }
0x116: {  	[hbm4b:s23+s3] =	stream.linear.scatter [tilespmem:s20], [sflag:$0x3], $0x80, $0x38;
	[tilespmem:$0x1E800] =	vst v63  }
0x117: {  	_ =	swait.ge [sflag:s18], $0x1000  }
0x118: {  	[sflag:s18] =	ssyncset.done $0x0  }
0x119: {  	s30 =	simm.s32 $0x1B870;
	[sflag:s18] =	ssyncadd.s32 $0xFFFFF000  }
0x11a: {  	v0 =	vld [tilespmem:s30+$0x0]  }
0x11b: {  	v1 =	vld [tilespmem:s30+$0xFFFFFFA0]  }
0x11c: {  	v3 =	vld [tilespmem:s30+$0xFFFFFFC0]  }
0x11d: {  	v5 =	vld [tilespmem:s30+$0xFFFFFFE0]  }
0x11e: {  	v7 =	vld [tilespmem:s30+$0xFFFFFFF0]  }
0x11f: {  	v9 =	vld [tilespmem:s30+$0xFFFFFF90];
	_ =	sdelay $0x1  }
0x120: {  	v2 =	vld [tilespmem:s30+$0xFFFFFFB0]  }
0x121: {  	v4 =	vld [tilespmem:s30+$0xFFFFFFD0];
	v6 =	vshrl.u32 v0, $0x6;
	v8 =	vand.u32 $0x7F, v0;
	v0 =	vshll.u32 v0, $0x3  }
0x122: {  	v10 =	vshrl.u32 v1, $0x6;
	v11 =	vshrl.u32 v3, $0x6;
	v12 =	vshrl.u32 v5, $0x6  }
0x123: {  	v13 =	vand.u32 $0x7F, v1;
	v14 =	vshrl.u32 v7, $0x6;
	v15 =	vand.u32 $0x7F, v9  }
0x124: {  	v16 =	vshrl.u32 v9, $0x6;
	v9 =	vshll.u32 v9, $0x3;
	v1 =	vshll.u32 v1, $0x3  }
0x125: {  	v17 =	vand.u32 $0x7F, v2;
	v18 =	vand.u32 $0x7F, v3;
	v3 =	vshll.u32 v3, $0x3  }
0x126: {  	v19 =	vand.u32 $0x7F, v4;
	v20 =	vand.u32 $0x7F, v5;
	v5 =	vshll.u32 v5, $0x3  }
0x127: {  	v21 =	vand.u32 $0x7F, v7;
	v7 =	vshll.u32 v7, $0x3;
	v6 =	vand.u32 $0x380, v6  }
0x128: {  	v0 =	vand.u32 $0xFC00, v0;
	v11 =	vand.u32 $0x380, v11;
	v12 =	vand.u32 $0x380, v12  }
0x129: {  	v14 =	vand.u32 $0x380, v14;
	v16 =	vand.u32 $0x380, v16;
	v9 =	vand.u32 $0xFC00, v9  }
0x12a: {  	s31 =	simm.s32 $0x1B8F0;
	v1 =	vand.u32 $0xFC00, v1;
	v3 =	vand.u32 $0xFC00, v3;
	v5 =	vand.u32 $0xFC00, v5  }
0x12b: {  	v7 =	vand.u32 $0xFC00, v7;
	v6 =	vor.u32 v8, v6;
	v15 =	vor.u32 v15, v16;
	v16 =	vld [tilespmem:s31+$0xFFFFFFA0]  }
0x12c: {  	v8 =	vshrl.u32 v2, $0x6;
	v2 =	vshll.u32 v2, $0x3;
	v11 =	vor.u32 v18, v11;
	v18 =	vld [tilespmem:s31+$0xFFFFFFC0]  }
0x12d: {  	v0 =	vor.u32 v0, v6;
	v9 =	vor.u32 v9, v15;
	v3 =	vor.u32 v3, v11;
	v11 =	vld [tilespmem:s31+$0xFFFFFFE0]  }
0x12e: {  	v6 =	vand.u32 $0x380, v10;
	v8 =	vand.u32 $0x380, v8;
	v10 =	vshrl.u32 v4, $0x6;
	v15 =	vld [tilespmem:s31+$0xFFFFFFF0]  }
0x12f: {  	v4 =	vshll.u32 v4, $0x3;
	v2 =	vand.u32 $0xFC00, v2;
	v6 =	vor.u32 v13, v6;
	v13 =	vld [tilespmem:s31+$0x0]  }
0x130: {  	v10 =	vand.u32 $0x380, v10;
	v8 =	vor.u32 v17, v8;
	v17 =	vld [tilespmem:s31+$0xFFFFFFB0];
	v1 =	vor.u32 v1, v6  }
0x131: {  	v4 =	vand.u32 $0xFC00, v4;
	v10 =	vor.u32 v19, v10;
	v2 =	vor.u32 v2, v8;
	v8 =	vld [tilespmem:s31+$0xFFFFFFD0]  }
0x132: {  	v12 =	vor.u32 v20, v12;
	v14 =	vor.u32 v21, v14;
	v4 =	vor.u32 v4, v10;
	v9 =	vld.idx.msk [tilespmem:v9+s3+$0x0], $0xffff  }
0x133: {  	v10 =	vor.u32 v5, v12;
	v12 =	vor.u32 v7, v14;
	v14 =	vshrl.u32 v16, $0x6;
	v26 =	vld.idx.msk [tilespmem:v3+s3+$0x0], $0xffff  }
0x134: {  	v5 =	vshrl.u32 v13, $0x6;
	v6 =	vand.u32 $0x7F, v13;
	v7 =	vshll.u32 v13, $0x3;
	v13 =	vld [tilespmem:s31+$0xFFFFFF90]  }
0x135: {  	v19 =	vshrl.u32 v18, $0x6;
	v63 =	vand.u32 $0x380, v14;
	v5 =	vand.u32 $0x380, v5;
	v14 =	vld.idx.msk [tilespmem:v1+s3+$0x0], $0xffff  }
0x136: {  	v25 =	vand.u32 $0x7F, v16;
	v7 =	vand.u32 $0xFC00, v7;
	v5 =	vor.u32 v6, v5;
	v6 =	vld.idx.msk [tilespmem:v0+s3+$0x0], $0xffff  }
0x137: {  	v30 =	vand.u32 $0x7F, v18;
	v19 =	vand.u32 $0x380, v19;
	v28 =	vld.idx.msk [tilespmem:v4+s3+$0x0], $0xffff;
	v20 =	vor.u32 v7, v5  }
0x138: {  	v29 =	vand.u32 $0x7F, v17;
	v1 =	vshrl.u32 v15, $0x6;
	v0 =	vshrl.u32 v17, $0x6;
	v3 =	vld.idx.msk [tilespmem:v10+s3+$0x0], $0xffff  }
0x139: {  	v1 =	vand.u32 $0x380, v1;
	v10 =	vshll.u32 v11, $0x3;
	v4 =	vld.idx.msk [tilespmem:v12+s3+$0x0], $0xffff;
	v12 =	vor.u32 v25, v63  }
0x13a: {  	s20 =	simm.s32 $0x1C8F0;
	v24 =	vld.idx.msk [tilespmem:v2+s3+$0x0], $0xffff;
	v22 =	vand.u32 $0x380, v0;
	v0 =	vshrl.u32 v8, $0x6;
	v5 =	vshll.u32 v16, $0x3  }
0x13b: {  	v16 =	vand.u32 $0x7F, v11;
	v23 =	vand.u32 $0x380, v0;
	[tilespmem:s20+$0xFFFFFF90] =	vst v9;
	v2 =	vshrl.u32 v13, $0x6  }
0x13c: {  	[tilespmem:s20+$0xFFFFFFC0] =	vst v26;
	v27 =	vand.u32 $0x7F, v13;
	v7 =	vshll.u32 v13, $0x3;
	v13 =	vand.u32 $0x380, v2;
	v2 =	vld.idx.msk [tilespmem:v20+s3+$0x0], $0xffff  }
0x13d: {  	v0 =	vshrl.u32 v11, $0x6;
	v9 =	vshll.u32 v18, $0x3;
	v11 =	vshll.u32 v15, $0x3;
	[tilespmem:s20+$0xFFFFFFA0] =	vst v14  }
0x13e: {  	v18 =	vor.u32 v29, v22;
	v0 =	vand.u32 $0x380, v0;
	[tilespmem:s20+$0x0] =	vst v6;
	v6 =	vshll.u32 v17, $0x3  }
0x13f: {  	[tilespmem:s20+$0xFFFFFFB0] =	vst v24;
	v17 =	vand.u32 $0x7F, v15;
	v14 =	vor.u32 v27, v13;
	v20 =	vand.u32 $0x7F, v8  }
0x140: {  	s22 =	simm.s32 $0x8;
	s23 =	simm.s32 $0x1B970;
	s21 =	simm.s32 $0x1C9F0;
	v15 =	vor.u32 v30, v19;
	[tilespmem:s20+$0xFFFFFFD0] =	vst v28;
	v8 =	vshll.u32 v8, $0x3;
	v13 =	vor.u32 v20, v23  }
.LBB2_14:
0x141: {  	v19 =	vld [tilespmem:s23+$0x0];
	s22 =	sadd.s32 $0x8, s22;
	v7 =	vand.u32 $0xFC00, v7;
	v0 =	vor.u32 v16, v0;
	v1 =	vor.u32 v17, v1;
	[tilespmem:s21+$0x0] =	vst v2  }
0x142: {  	v5 =	vand.u32 $0xFC00, v5;
	v6 =	vand.u32 $0xFC00, v6;
	v9 =	vand.u32 $0xFC00, v9;
	v2 =	vld [tilespmem:s23+$0xFFFFFFA0];
	p0 =	slt.u32 s22, $0xF8;
	[tilespmem:s20+$0xFFFFFFE0] =	vst v3  }
0x143: {  	v8 =	vand.u32 $0xFC00, v8;
	v10 =	vand.u32 $0xFC00, v10;
	v11 =	vand.u32 $0xFC00, v11;
	v3 =	vld [tilespmem:s23+$0xFFFFFFB0];
	[tilespmem:s20+$0xFFFFFFF0] =	vst v4;
	s20 =	smov.u32 s21  }
0x144: {  	v7 =	vor.u32 v7, v14;
	v5 =	vor.u32 v5, v12;
	v6 =	vor.u32 v6, v18;
	v4 =	vld [tilespmem:s23+$0xFFFFFFC0]  }
0x145: {  	v9 =	vor.u32 v9, v15;
	v8 =	vor.u32 v8, v13;
	v10 =	vor.u32 v10, v0;
	v12 =	vld [tilespmem:s23+$0xFFFFFFD0]  }
0x146: {  	v11 =	vor.u32 v11, v1;
	v13 =	vld [tilespmem:s23+$0xFFFFFFE0];
	v0 =	vshrl.u32 v19, $0x6  }
0x147: {  	v1 =	vand.u32 $0x7F, v19;
	v14 =	vshll.u32 v19, $0x3;
	v15 =	vld [tilespmem:s23+$0xFFFFFFF0];
	v0 =	vand.u32 $0x380, v0  }
0x148: {  	v17 =	vshrl.u32 v2, $0x6;
	v14 =	vand.u32 $0xFC00, v14;
	v16 =	vld [tilespmem:s23+$0xFFFFFF90];
	v0 =	vor.u32 v1, v0  }
0x149: {  	v1 =	vshrl.u32 v3, $0x6;
	v18 =	vshrl.u32 v4, $0x6;
	v14 =	vor.u32 v14, v0;
	v19 =	vld.idx.msk [tilespmem:v7+s3+$0x0], $0xffff  }
0x14a: {  	v20 =	vand.u32 $0x380, v17;
	v21 =	vand.u32 $0x380, v1;
	v0 =	vshrl.u32 v12, $0x6;
	v17 =	vld.idx.msk [tilespmem:v5+s3+$0x0], $0xffff  }
0x14b: {  	v22 =	vand.u32 $0x380, v18;
	v23 =	vand.u32 $0x380, v0;
	v0 =	vshrl.u32 v13, $0x6;
	v18 =	vld.idx.msk [tilespmem:v6+s3+$0x0], $0xffff  }
0x14c: {  	v24 =	vand.u32 $0x7F, v2;
	v0 =	vand.u32 $0x380, v0;
	v1 =	vshrl.u32 v15, $0x6;
	v25 =	vld.idx.msk [tilespmem:v9+s3+$0x0], $0xffff  }
0x14d: {  	v26 =	vand.u32 $0x7F, v16;
	v5 =	vshrl.u32 v16, $0x6;
	v1 =	vand.u32 $0x380, v1;
	v27 =	vld.idx.msk [tilespmem:v8+s3+$0x0], $0xffff  }
0x14e: {  	v7 =	vshll.u32 v16, $0x3;
	v28 =	vand.u32 $0x380, v5;
	v5 =	vshll.u32 v2, $0x3;
	v2 =	vld.idx.msk [tilespmem:v14+s3+$0x0], $0xffff  }
.Ltmp6:
0x14f: {  	v29 =	vand.u32 $0x7F, v3;
	v30 =	vand.u32 $0x7F, v4;
	v6 =	vshll.u32 v3, $0x3;
	[tilespmem:s21+$0xFFFFFF90] =	vst v19;
	v3 =	vld.idx.msk [tilespmem:v10+s3+$0x0], $0xffff;
	(pc) =	sbr.rel @p0 .LBB2_14-.Ltmp6, $4  }
0x150: {  	v9 =	vshll.u32 v4, $0x3;
	v8 =	vshll.u32 v12, $0x3;
	v19 =	vand.u32 $0x7F, v12;
	[tilespmem:s21+$0xFFFFFFA0] =	vst v17;
	v4 =	vld.idx.msk [tilespmem:v11+s3+$0x0], $0xffff  }
0x151: {  	v16 =	vand.u32 $0x7F, v13;
	v10 =	vshll.u32 v13, $0x3;
	v17 =	vand.u32 $0x7F, v15;
	[tilespmem:s21+$0xFFFFFFB0] =	vst v18  }
0x152: {  	v14 =	vor.u32 v26, v28;
	v12 =	vor.u32 v24, v20;
	v11 =	vshll.u32 v15, $0x3;
	[tilespmem:s21+$0xFFFFFFC0] =	vst v25  }
0x153: {  	s23 =	sadd.s32 $0x80, s23;
	v15 =	vor.u32 v30, v22;
	v13 =	vor.u32 v19, v23;
	v18 =	vor.u32 v29, v21;
	s21 =	sadd.s32 $0x100, s21;
	[tilespmem:s20+$0xFFFFFFD0] =	vst v27  }
0x154: {  	v7 =	vand.u32 $0xFC00, v7  }
0x155: {  	v5 =	vand.u32 $0xFC00, v5;
	v7 =	vor.u32 v7, v14  }
0x156: {  	v6 =	vand.u32 $0xFC00, v6;
	v5 =	vor.u32 v5, v12  }
0x157: {  	v9 =	vand.u32 $0xFC00, v9;
	v6 =	vor.u32 v6, v18  }
0x158: {  	v8 =	vand.u32 $0xFC00, v8;
	v9 =	vor.u32 v9, v15  }
0x159: {  	v0 =	vor.u32 v16, v0;
	v10 =	vand.u32 $0xFC00, v10;
	v8 =	vor.u32 v8, v13  }
0x15a: {  	v1 =	vor.u32 v17, v1;
	v11 =	vand.u32 $0xFC00, v11;
	v0 =	vor.u32 v10, v0;
	v7 =	vld.idx.msk [tilespmem:v7+s3+$0x0], $0xffff  }
0x15b: {  	v1 =	vor.u32 v11, v1;
	v5 =	vld.idx.msk [tilespmem:v5+s3+$0x0], $0xffff  }
0x15c: {  	[tilespmem:s21+$0x0] =	vst v2;
	v61 =	vld.idx.msk [tilespmem:v6+s3+$0x0], $0xffff  }
0x15d: {  	[tilespmem:s20+$0xFFFFFFE0] =	vst v3;
	v62 =	vld.idx.msk [tilespmem:v9+s3+$0x0], $0xffff  }
0x15e: {  	[tilespmem:s20+$0xFFFFFFF0] =	vst v4;
	v63 =	vld.idx.msk [tilespmem:v8+s3+$0x0], $0xffff  }
0x15f: {  	v0 =	vld.idx.msk [tilespmem:v0+s3+$0x0], $0xffff;
	[tilespmem:s21+$0xFFFFFF90] =	vst v7  }
0x160: {  	v1 =	vld.idx.msk [tilespmem:v1+s3+$0x0], $0xffff;
	[tilespmem:s21+$0xFFFFFFA0] =	vst v5  }
0x161: {  	[tilespmem:s21+$0xFFFFFFB0] =	vst v61  }
0x162: {  	[tilespmem:s21+$0xFFFFFFC0] =	vst v62  }
0x163: {  	[tilespmem:s21+$0xFFFFFFD0] =	vst v63  }
0x164: {  	s23 =	sadd.s32 $0x0, s8;
	[tilespmem:s21+$0xFFFFFFE0] =	vst v0  }
0x165: {  	s22 =	simm.s32 $0x1C980;
	s20 =	simm.s32 $0x1C880;
	[tilespmem:s21+$0xFFFFFFF0] =	vst v1;
	s21 =	simm.s32 $0x80  }
.LBB2_16:
0x166: {  	[hbm4b:s23+s3] =	stream.linear.scatter [tilespmem:s20], [sflag:$0x3], $0x80, $0x38;
	[tilespmem:$0x1E800] =	vst v63  }
0x167: {  	s23 =	smov.u32 s21;
	s20 =	smov.u32 s22;
	p0 =	sne.s32 s21, $0xF80  }
.Ltmp7:
0x168: {  	s21 =	sadd.s32 $0x80, s21;
	(pc) =	sbr.rel @p0 .LBB2_16-.Ltmp7, $2  }
0x169: {  	_ =	sdelay $0x2  }
0x16a: {  	s22 =	sadd.s32 $0x100, s22;
	s23 =	sadd.s32 s23, s8  }
0x16b: {  	[hbm4b:s23+s3] =	stream.linear.scatter [tilespmem:s20], [sflag:$0x3], $0x80, $0x38;
	[tilespmem:$0x1E800] =	vst v63  }
0x16c: {  	_ = 	snop  }
0x16d: {  	[tilespmem:s3], [sflag:$0x1] =	stream.linear.gather [hbm4b:s9+s3], $0x18800, $0x38;
	[tilespmem:$0x1E800] =	vst v63  }
0x16e: {  	_ =	swait.ge [sflag:s17], $0x18800  }
0x16f: {  	[sflag:s17] =	ssyncset.done $0x0  }
0x170: {  	[sflag:s17] =	ssyncadd.s32 $0xFFFE7800  }
0x171: {  	_ =	swait.ge [sflag:s18], $0x1000  }
0x172: {  	[sflag:s18] =	ssyncset.done $0x0  }
0x173: {  	s30 =	simm.s32 $0x18840;
	[sflag:s18] =	ssyncadd.s32 $0xFFFFF000  }
0x174: {  	v0 =	vld [tilespmem:s30+$0x30]  }
0x175: {  	v1 =	vld [tilespmem:s30+$0xFFFFFFD0]  }
0x176: {  	v3 =	vld [tilespmem:s30+$0xFFFFFFF0]  }
0x177: {  	v5 =	vld [tilespmem:s30+$0x10]  }
0x178: {  	v7 =	vld [tilespmem:s30+$0x20]  }
0x179: {  	v9 =	vld [tilespmem:s30+$0xFFFFFFC0];
	_ =	sdelay $0x1  }
0x17a: {  	v2 =	vld [tilespmem:s30+$0xFFFFFFE0]  }
0x17b: {  	v4 =	vld [tilespmem:s30+$0x0];
	v6 =	vshrl.u32 v0, $0x6;
	v8 =	vand.u32 $0x7F, v0;
	v0 =	vshll.u32 v0, $0x3  }
0x17c: {  	v10 =	vshrl.u32 v1, $0x6;
	v11 =	vshrl.u32 v3, $0x6;
	v12 =	vshrl.u32 v5, $0x6  }
0x17d: {  	v13 =	vand.u32 $0x7F, v1;
	v14 =	vshrl.u32 v7, $0x6;
	v15 =	vand.u32 $0x7F, v9  }
0x17e: {  	v16 =	vshrl.u32 v9, $0x6;
	v9 =	vshll.u32 v9, $0x3;
	v1 =	vshll.u32 v1, $0x3  }
0x17f: {  	v17 =	vand.u32 $0x7F, v2;
	v18 =	vand.u32 $0x7F, v3;
	v3 =	vshll.u32 v3, $0x3  }
0x180: {  	v19 =	vand.u32 $0x7F, v4;
	v20 =	vand.u32 $0x7F, v5;
	v5 =	vshll.u32 v5, $0x3  }
0x181: {  	v21 =	vand.u32 $0x7F, v7;
	v7 =	vshll.u32 v7, $0x3;
	v6 =	vand.u32 $0x380, v6  }
0x182: {  	v0 =	vand.u32 $0xFC00, v0;
	v11 =	vand.u32 $0x380, v11;
	v12 =	vand.u32 $0x380, v12  }
0x183: {  	v14 =	vand.u32 $0x380, v14;
	v16 =	vand.u32 $0x380, v16;
	v9 =	vand.u32 $0xFC00, v9  }
0x184: {  	s31 =	simm.s32 $0x188C0;
	v1 =	vand.u32 $0xFC00, v1;
	v3 =	vand.u32 $0xFC00, v3;
	v5 =	vand.u32 $0xFC00, v5  }
0x185: {  	v7 =	vand.u32 $0xFC00, v7;
	v6 =	vor.u32 v8, v6;
	v15 =	vor.u32 v15, v16;
	v16 =	vld [tilespmem:s31+$0xFFFFFFD0]  }
0x186: {  	v8 =	vshrl.u32 v2, $0x6;
	v2 =	vshll.u32 v2, $0x3;
	v11 =	vor.u32 v18, v11;
	v18 =	vld [tilespmem:s31+$0xFFFFFFF0]  }
0x187: {  	v0 =	vor.u32 v0, v6;
	v9 =	vor.u32 v9, v15;
	v3 =	vor.u32 v3, v11;
	v11 =	vld [tilespmem:s31+$0x10]  }
0x188: {  	v6 =	vand.u32 $0x380, v10;
	v8 =	vand.u32 $0x380, v8;
	v10 =	vshrl.u32 v4, $0x6;
	v15 =	vld [tilespmem:s31+$0x20]  }
0x189: {  	v4 =	vshll.u32 v4, $0x3;
	v2 =	vand.u32 $0xFC00, v2;
	v6 =	vor.u32 v13, v6;
	v13 =	vld [tilespmem:s31+$0x30]  }
0x18a: {  	v10 =	vand.u32 $0x380, v10;
	v8 =	vor.u32 v17, v8;
	v17 =	vld [tilespmem:s31+$0xFFFFFFE0];
	v1 =	vor.u32 v1, v6  }
0x18b: {  	v4 =	vand.u32 $0xFC00, v4;
	v10 =	vor.u32 v19, v10;
	v2 =	vor.u32 v2, v8;
	v8 =	vld [tilespmem:s31+$0x0]  }
0x18c: {  	v12 =	vor.u32 v20, v12;
	v14 =	vor.u32 v21, v14;
	v4 =	vor.u32 v4, v10;
	v9 =	vld.idx.msk [tilespmem:v9+s3+$0x0], $0xffff  }
0x18d: {  	v10 =	vor.u32 v5, v12;
	v12 =	vor.u32 v7, v14;
	v14 =	vshrl.u32 v16, $0x6;
	v26 =	vld.idx.msk [tilespmem:v3+s3+$0x0], $0xffff  }
0x18e: {  	v5 =	vshrl.u32 v13, $0x6;
	v6 =	vand.u32 $0x7F, v13;
	v7 =	vshll.u32 v13, $0x3;
	v13 =	vld [tilespmem:s31+$0xFFFFFFC0]  }
0x18f: {  	v19 =	vshrl.u32 v18, $0x6;
	v63 =	vand.u32 $0x380, v14;
	v5 =	vand.u32 $0x380, v5;
	v14 =	vld.idx.msk [tilespmem:v1+s3+$0x0], $0xffff  }
0x190: {  	v25 =	vand.u32 $0x7F, v16;
	v7 =	vand.u32 $0xFC00, v7;
	v5 =	vor.u32 v6, v5;
	v6 =	vld.idx.msk [tilespmem:v0+s3+$0x0], $0xffff  }
0x191: {  	v30 =	vand.u32 $0x7F, v18;
	v19 =	vand.u32 $0x380, v19;
	v28 =	vld.idx.msk [tilespmem:v4+s3+$0x0], $0xffff;
	v20 =	vor.u32 v7, v5  }
0x192: {  	v29 =	vand.u32 $0x7F, v17;
	v1 =	vshrl.u32 v15, $0x6;
	v0 =	vshrl.u32 v17, $0x6;
	v3 =	vld.idx.msk [tilespmem:v10+s3+$0x0], $0xffff  }
0x193: {  	v1 =	vand.u32 $0x380, v1;
	v10 =	vshll.u32 v11, $0x3;
	v4 =	vld.idx.msk [tilespmem:v12+s3+$0x0], $0xffff;
	v12 =	vor.u32 v25, v63  }
0x194: {  	s20 =	simm.s32 $0x1C840;
	v24 =	vld.idx.msk [tilespmem:v2+s3+$0x0], $0xffff;
	v22 =	vand.u32 $0x380, v0;
	v0 =	vshrl.u32 v8, $0x6;
	v5 =	vshll.u32 v16, $0x3  }
0x195: {  	v16 =	vand.u32 $0x7F, v11;
	v23 =	vand.u32 $0x380, v0;
	[tilespmem:s20+$0xFFFFFFC0] =	vst v9;
	v2 =	vshrl.u32 v13, $0x6  }
0x196: {  	[tilespmem:s20+$0xFFFFFFF0] =	vst v26;
	v27 =	vand.u32 $0x7F, v13;
	v7 =	vshll.u32 v13, $0x3;
	v13 =	vand.u32 $0x380, v2;
	v2 =	vld.idx.msk [tilespmem:v20+s3+$0x0], $0xffff  }
0x197: {  	v0 =	vshrl.u32 v11, $0x6;
	v9 =	vshll.u32 v18, $0x3;
	v11 =	vshll.u32 v15, $0x3;
	[tilespmem:s20+$0xFFFFFFD0] =	vst v14  }
0x198: {  	v18 =	vor.u32 v29, v22;
	v0 =	vand.u32 $0x380, v0;
	[tilespmem:s20+$0x30] =	vst v6;
	v6 =	vshll.u32 v17, $0x3  }
0x199: {  	[tilespmem:s20+$0xFFFFFFE0] =	vst v24;
	v17 =	vand.u32 $0x7F, v15;
	v14 =	vor.u32 v27, v13;
	v20 =	vand.u32 $0x7F, v8  }
0x19a: {  	s22 =	simm.s32 $0x8;
	s23 =	simm.s32 $0x18940;
	s21 =	simm.s32 $0x1C940;
	v15 =	vor.u32 v30, v19;
	[tilespmem:s20+$0x0] =	vst v28;
	v8 =	vshll.u32 v8, $0x3;
	v13 =	vor.u32 v20, v23  }
.LBB2_18:
0x19b: {  	v19 =	vld [tilespmem:s23+$0x30];
	s22 =	sadd.s32 $0x8, s22;
	v7 =	vand.u32 $0xFC00, v7;
	v0 =	vor.u32 v16, v0;
	v1 =	vor.u32 v17, v1;
	[tilespmem:s21+$0x30] =	vst v2  }
0x19c: {  	v5 =	vand.u32 $0xFC00, v5;
	v6 =	vand.u32 $0xFC00, v6;
	v9 =	vand.u32 $0xFC00, v9;
	v2 =	vld [tilespmem:s23+$0xFFFFFFD0];
	p0 =	slt.u32 s22, $0xF8;
	[tilespmem:s20+$0x10] =	vst v3  }
0x19d: {  	v8 =	vand.u32 $0xFC00, v8;
	v10 =	vand.u32 $0xFC00, v10;
	v11 =	vand.u32 $0xFC00, v11;
	v3 =	vld [tilespmem:s23+$0xFFFFFFE0];
	[tilespmem:s20+$0x20] =	vst v4;
	s20 =	smov.u32 s21  }
0x19e: {  	v7 =	vor.u32 v7, v14;
	v5 =	vor.u32 v5, v12;
	v6 =	vor.u32 v6, v18;
	v4 =	vld [tilespmem:s23+$0xFFFFFFF0]  }
0x19f: {  	v9 =	vor.u32 v9, v15;
	v8 =	vor.u32 v8, v13;
	v10 =	vor.u32 v10, v0;
	v12 =	vld [tilespmem:s23+$0x0]  }
0x1a0: {  	v11 =	vor.u32 v11, v1;
	v13 =	vld [tilespmem:s23+$0x10];
	v0 =	vshrl.u32 v19, $0x6  }
0x1a1: {  	v1 =	vand.u32 $0x7F, v19;
	v14 =	vshll.u32 v19, $0x3;
	v15 =	vld [tilespmem:s23+$0x20];
	v0 =	vand.u32 $0x380, v0  }
0x1a2: {  	v17 =	vshrl.u32 v2, $0x6;
	v14 =	vand.u32 $0xFC00, v14;
	v16 =	vld [tilespmem:s23+$0xFFFFFFC0];
	v0 =	vor.u32 v1, v0  }
0x1a3: {  	v1 =	vshrl.u32 v3, $0x6;
	v18 =	vshrl.u32 v4, $0x6;
	v14 =	vor.u32 v14, v0;
	v19 =	vld.idx.msk [tilespmem:v7+s3+$0x0], $0xffff  }
0x1a4: {  	v20 =	vand.u32 $0x380, v17;
	v21 =	vand.u32 $0x380, v1;
	v0 =	vshrl.u32 v12, $0x6;
	v17 =	vld.idx.msk [tilespmem:v5+s3+$0x0], $0xffff  }
0x1a5: {  	v22 =	vand.u32 $0x380, v18;
	v23 =	vand.u32 $0x380, v0;
	v0 =	vshrl.u32 v13, $0x6;
	v18 =	vld.idx.msk [tilespmem:v6+s3+$0x0], $0xffff  }
0x1a6: {  	v24 =	vand.u32 $0x7F, v2;
	v0 =	vand.u32 $0x380, v0;
	v1 =	vshrl.u32 v15, $0x6;
	v25 =	vld.idx.msk [tilespmem:v9+s3+$0x0], $0xffff  }
0x1a7: {  	v26 =	vand.u32 $0x7F, v16;
	v5 =	vshrl.u32 v16, $0x6;
	v1 =	vand.u32 $0x380, v1;
	v27 =	vld.idx.msk [tilespmem:v8+s3+$0x0], $0xffff  }
0x1a8: {  	v7 =	vshll.u32 v16, $0x3;
	v28 =	vand.u32 $0x380, v5;
	v5 =	vshll.u32 v2, $0x3;
	v2 =	vld.idx.msk [tilespmem:v14+s3+$0x0], $0xffff  }
.Ltmp8:
0x1a9: {  	v29 =	vand.u32 $0x7F, v3;
	v30 =	vand.u32 $0x7F, v4;
	v6 =	vshll.u32 v3, $0x3;
	[tilespmem:s21+$0xFFFFFFC0] =	vst v19;
	v3 =	vld.idx.msk [tilespmem:v10+s3+$0x0], $0xffff;
	(pc) =	sbr.rel @p0 .LBB2_18-.Ltmp8, $4  }
0x1aa: {  	v9 =	vshll.u32 v4, $0x3;
	v8 =	vshll.u32 v12, $0x3;
	v19 =	vand.u32 $0x7F, v12;
	[tilespmem:s21+$0xFFFFFFD0] =	vst v17;
	v4 =	vld.idx.msk [tilespmem:v11+s3+$0x0], $0xffff  }
0x1ab: {  	v16 =	vand.u32 $0x7F, v13;
	v10 =	vshll.u32 v13, $0x3;
	v17 =	vand.u32 $0x7F, v15;
	[tilespmem:s21+$0xFFFFFFE0] =	vst v18  }
0x1ac: {  	v14 =	vor.u32 v26, v28;
	v12 =	vor.u32 v24, v20;
	v11 =	vshll.u32 v15, $0x3;
	[tilespmem:s21+$0xFFFFFFF0] =	vst v25  }
0x1ad: {  	s23 =	sadd.s32 $0x80, s23;
	v15 =	vor.u32 v30, v22;
	v13 =	vor.u32 v19, v23;
	v18 =	vor.u32 v29, v21;
	s21 =	sadd.s32 $0x100, s21;
	[tilespmem:s20+$0x0] =	vst v27  }
0x1ae: {  	v7 =	vand.u32 $0xFC00, v7  }
0x1af: {  	v5 =	vand.u32 $0xFC00, v5;
	v7 =	vor.u32 v7, v14  }
0x1b0: {  	v6 =	vand.u32 $0xFC00, v6;
	v5 =	vor.u32 v5, v12  }
0x1b1: {  	v9 =	vand.u32 $0xFC00, v9;
	v6 =	vor.u32 v6, v18  }
0x1b2: {  	v8 =	vand.u32 $0xFC00, v8;
	v9 =	vor.u32 v9, v15  }
0x1b3: {  	v0 =	vor.u32 v16, v0;
	v10 =	vand.u32 $0xFC00, v10;
	v8 =	vor.u32 v8, v13  }
0x1b4: {  	v1 =	vor.u32 v17, v1;
	v11 =	vand.u32 $0xFC00, v11;
	v0 =	vor.u32 v10, v0;
	v7 =	vld.idx.msk [tilespmem:v7+s3+$0x0], $0xffff  }
0x1b5: {  	v1 =	vor.u32 v11, v1;
	v5 =	vld.idx.msk [tilespmem:v5+s3+$0x0], $0xffff  }
0x1b6: {  	[tilespmem:s21+$0x30] =	vst v2;
	v61 =	vld.idx.msk [tilespmem:v6+s3+$0x0], $0xffff  }
0x1b7: {  	[tilespmem:s20+$0x10] =	vst v3;
	v62 =	vld.idx.msk [tilespmem:v9+s3+$0x0], $0xffff  }
0x1b8: {  	[tilespmem:s20+$0x20] =	vst v4;
	v63 =	vld.idx.msk [tilespmem:v8+s3+$0x0], $0xffff  }
0x1b9: {  	v0 =	vld.idx.msk [tilespmem:v0+s3+$0x0], $0xffff;
	[tilespmem:s21+$0xFFFFFFC0] =	vst v7  }
0x1ba: {  	v1 =	vld.idx.msk [tilespmem:v1+s3+$0x0], $0xffff;
	[tilespmem:s21+$0xFFFFFFD0] =	vst v5  }
0x1bb: {  	[tilespmem:s21+$0xFFFFFFE0] =	vst v61  }
0x1bc: {  	[tilespmem:s21+$0xFFFFFFF0] =	vst v62  }
0x1bd: {  	[tilespmem:s21+$0x0] =	vst v63  }
0x1be: {  	s23 =	sadd.s32 $0x0, s10;
	[tilespmem:s21+$0x10] =	vst v0  }
0x1bf: {  	s22 =	simm.s32 $0x1C900;
	s20 =	simm.s32 $0x1C800;
	[tilespmem:s21+$0x20] =	vst v1;
	s21 =	simm.s32 $0x80  }
.LBB2_20:
0x1c0: {  	[hbm4b:s23+s3] =	stream.linear.scatter [tilespmem:s20], [sflag:$0x3], $0x80, $0x38;
	[tilespmem:$0x1E800] =	vst v63  }
0x1c1: {  	s23 =	smov.u32 s21;
	s20 =	smov.u32 s22;
	p0 =	sne.s32 s21, $0xF80  }
.Ltmp9:
0x1c2: {  	s21 =	sadd.s32 $0x80, s21;
	(pc) =	sbr.rel @p0 .LBB2_20-.Ltmp9, $2  }
0x1c3: {  	_ =	sdelay $0x2  }
0x1c4: {  	s22 =	sadd.s32 $0x100, s22;
	s23 =	sadd.s32 s23, s10  }
0x1c5: {  	[hbm4b:s23+s3] =	stream.linear.scatter [tilespmem:s20], [sflag:$0x3], $0x80, $0x38;
	[tilespmem:$0x1E800] =	vst v63  }
0x1c6: {  	_ =	swait.ge [sflag:s18], $0x1000  }
0x1c7: {  	[sflag:s18] =	ssyncset.done $0x0  }
0x1c8: {  	s30 =	simm.s32 $0x19870;
	[sflag:s18] =	ssyncadd.s32 $0xFFFFF000  }
0x1c9: {  	v0 =	vld [tilespmem:s30+$0x0]  }
0x1ca: {  	v1 =	vld [tilespmem:s30+$0xFFFFFFA0]  }
0x1cb: {  	v3 =	vld [tilespmem:s30+$0xFFFFFFC0]  }
0x1cc: {  	v5 =	vld [tilespmem:s30+$0xFFFFFFE0]  }
0x1cd: {  	v7 =	vld [tilespmem:s30+$0xFFFFFFF0]  }
0x1ce: {  	v9 =	vld [tilespmem:s30+$0xFFFFFF90];
	_ =	sdelay $0x1  }
0x1cf: {  	v2 =	vld [tilespmem:s30+$0xFFFFFFB0]  }
0x1d0: {  	v4 =	vld [tilespmem:s30+$0xFFFFFFD0];
	v6 =	vshrl.u32 v0, $0x6;
	v8 =	vand.u32 $0x7F, v0;
	v0 =	vshll.u32 v0, $0x3  }
0x1d1: {  	v10 =	vshrl.u32 v1, $0x6;
	v11 =	vshrl.u32 v3, $0x6;
	v12 =	vshrl.u32 v5, $0x6  }
0x1d2: {  	v13 =	vand.u32 $0x7F, v1;
	v14 =	vshrl.u32 v7, $0x6;
	v15 =	vand.u32 $0x7F, v9  }
0x1d3: {  	v16 =	vshrl.u32 v9, $0x6;
	v9 =	vshll.u32 v9, $0x3;
	v1 =	vshll.u32 v1, $0x3  }
0x1d4: {  	v17 =	vand.u32 $0x7F, v2;
	v18 =	vand.u32 $0x7F, v3;
	v3 =	vshll.u32 v3, $0x3  }
0x1d5: {  	v19 =	vand.u32 $0x7F, v4;
	v20 =	vand.u32 $0x7F, v5;
	v5 =	vshll.u32 v5, $0x3  }
0x1d6: {  	v21 =	vand.u32 $0x7F, v7;
	v7 =	vshll.u32 v7, $0x3;
	v6 =	vand.u32 $0x380, v6  }
0x1d7: {  	v0 =	vand.u32 $0xFC00, v0;
	v11 =	vand.u32 $0x380, v11;
	v12 =	vand.u32 $0x380, v12  }
0x1d8: {  	v14 =	vand.u32 $0x380, v14;
	v16 =	vand.u32 $0x380, v16;
	v9 =	vand.u32 $0xFC00, v9  }
0x1d9: {  	s31 =	simm.s32 $0x198F0;
	v1 =	vand.u32 $0xFC00, v1;
	v3 =	vand.u32 $0xFC00, v3;
	v5 =	vand.u32 $0xFC00, v5  }
0x1da: {  	v7 =	vand.u32 $0xFC00, v7;
	v6 =	vor.u32 v8, v6;
	v15 =	vor.u32 v15, v16;
	v16 =	vld [tilespmem:s31+$0xFFFFFFA0]  }
0x1db: {  	v8 =	vshrl.u32 v2, $0x6;
	v2 =	vshll.u32 v2, $0x3;
	v11 =	vor.u32 v18, v11;
	v18 =	vld [tilespmem:s31+$0xFFFFFFC0]  }
0x1dc: {  	v0 =	vor.u32 v0, v6;
	v9 =	vor.u32 v9, v15;
	v3 =	vor.u32 v3, v11;
	v11 =	vld [tilespmem:s31+$0xFFFFFFE0]  }
0x1dd: {  	v6 =	vand.u32 $0x380, v10;
	v8 =	vand.u32 $0x380, v8;
	v10 =	vshrl.u32 v4, $0x6;
	v15 =	vld [tilespmem:s31+$0xFFFFFFF0]  }
0x1de: {  	v4 =	vshll.u32 v4, $0x3;
	v2 =	vand.u32 $0xFC00, v2;
	v6 =	vor.u32 v13, v6;
	v13 =	vld [tilespmem:s31+$0x0]  }
0x1df: {  	v10 =	vand.u32 $0x380, v10;
	v8 =	vor.u32 v17, v8;
	v17 =	vld [tilespmem:s31+$0xFFFFFFB0];
	v1 =	vor.u32 v1, v6  }
0x1e0: {  	v4 =	vand.u32 $0xFC00, v4;
	v10 =	vor.u32 v19, v10;
	v2 =	vor.u32 v2, v8;
	v8 =	vld [tilespmem:s31+$0xFFFFFFD0]  }
0x1e1: {  	v12 =	vor.u32 v20, v12;
	v14 =	vor.u32 v21, v14;
	v4 =	vor.u32 v4, v10;
	v9 =	vld.idx.msk [tilespmem:v9+s3+$0x0], $0xffff  }
0x1e2: {  	v10 =	vor.u32 v5, v12;
	v12 =	vor.u32 v7, v14;
	v14 =	vshrl.u32 v16, $0x6;
	v26 =	vld.idx.msk [tilespmem:v3+s3+$0x0], $0xffff  }
0x1e3: {  	v5 =	vshrl.u32 v13, $0x6;
	v6 =	vand.u32 $0x7F, v13;
	v7 =	vshll.u32 v13, $0x3;
	v13 =	vld [tilespmem:s31+$0xFFFFFF90]  }
0x1e4: {  	v19 =	vshrl.u32 v18, $0x6;
	v63 =	vand.u32 $0x380, v14;
	v5 =	vand.u32 $0x380, v5;
	v14 =	vld.idx.msk [tilespmem:v1+s3+$0x0], $0xffff  }
0x1e5: {  	v25 =	vand.u32 $0x7F, v16;
	v7 =	vand.u32 $0xFC00, v7;
	v5 =	vor.u32 v6, v5;
	v6 =	vld.idx.msk [tilespmem:v0+s3+$0x0], $0xffff  }
0x1e6: {  	v30 =	vand.u32 $0x7F, v18;
	v19 =	vand.u32 $0x380, v19;
	v28 =	vld.idx.msk [tilespmem:v4+s3+$0x0], $0xffff;
	v20 =	vor.u32 v7, v5  }
0x1e7: {  	v29 =	vand.u32 $0x7F, v17;
	v1 =	vshrl.u32 v15, $0x6;
	v0 =	vshrl.u32 v17, $0x6;
	v3 =	vld.idx.msk [tilespmem:v10+s3+$0x0], $0xffff  }
0x1e8: {  	v1 =	vand.u32 $0x380, v1;
	v10 =	vshll.u32 v11, $0x3;
	v4 =	vld.idx.msk [tilespmem:v12+s3+$0x0], $0xffff;
	v12 =	vor.u32 v25, v63  }
0x1e9: {  	s20 =	simm.s32 $0x1C8F0;
	v24 =	vld.idx.msk [tilespmem:v2+s3+$0x0], $0xffff;
	v22 =	vand.u32 $0x380, v0;
	v0 =	vshrl.u32 v8, $0x6;
	v5 =	vshll.u32 v16, $0x3  }
0x1ea: {  	v16 =	vand.u32 $0x7F, v11;
	v23 =	vand.u32 $0x380, v0;
	[tilespmem:s20+$0xFFFFFF90] =	vst v9;
	v2 =	vshrl.u32 v13, $0x6  }
0x1eb: {  	[tilespmem:s20+$0xFFFFFFC0] =	vst v26;
	v27 =	vand.u32 $0x7F, v13;
	v7 =	vshll.u32 v13, $0x3;
	v13 =	vand.u32 $0x380, v2;
	v2 =	vld.idx.msk [tilespmem:v20+s3+$0x0], $0xffff  }
0x1ec: {  	v0 =	vshrl.u32 v11, $0x6;
	v9 =	vshll.u32 v18, $0x3;
	v11 =	vshll.u32 v15, $0x3;
	[tilespmem:s20+$0xFFFFFFA0] =	vst v14  }
0x1ed: {  	v18 =	vor.u32 v29, v22;
	v0 =	vand.u32 $0x380, v0;
	[tilespmem:s20+$0x0] =	vst v6;
	v6 =	vshll.u32 v17, $0x3  }
0x1ee: {  	[tilespmem:s20+$0xFFFFFFB0] =	vst v24;
	v17 =	vand.u32 $0x7F, v15;
	v14 =	vor.u32 v27, v13;
	v20 =	vand.u32 $0x7F, v8  }
0x1ef: {  	s22 =	simm.s32 $0x8;
	s23 =	simm.s32 $0x19970;
	s21 =	simm.s32 $0x1C9F0;
	v15 =	vor.u32 v30, v19;
	[tilespmem:s20+$0xFFFFFFD0] =	vst v28;
	v8 =	vshll.u32 v8, $0x3;
	v13 =	vor.u32 v20, v23  }
.LBB2_22:
0x1f0: {  	v19 =	vld [tilespmem:s23+$0x0];
	s22 =	sadd.s32 $0x8, s22;
	v7 =	vand.u32 $0xFC00, v7;
	v0 =	vor.u32 v16, v0;
	v1 =	vor.u32 v17, v1;
	[tilespmem:s21+$0x0] =	vst v2  }
0x1f1: {  	v5 =	vand.u32 $0xFC00, v5;
	v6 =	vand.u32 $0xFC00, v6;
	v9 =	vand.u32 $0xFC00, v9;
	v2 =	vld [tilespmem:s23+$0xFFFFFFA0];
	p0 =	slt.u32 s22, $0xF8;
	[tilespmem:s20+$0xFFFFFFE0] =	vst v3  }
0x1f2: {  	v8 =	vand.u32 $0xFC00, v8;
	v10 =	vand.u32 $0xFC00, v10;
	v11 =	vand.u32 $0xFC00, v11;
	v3 =	vld [tilespmem:s23+$0xFFFFFFB0];
	[tilespmem:s20+$0xFFFFFFF0] =	vst v4;
	s20 =	smov.u32 s21  }
0x1f3: {  	v7 =	vor.u32 v7, v14;
	v5 =	vor.u32 v5, v12;
	v6 =	vor.u32 v6, v18;
	v4 =	vld [tilespmem:s23+$0xFFFFFFC0]  }
0x1f4: {  	v9 =	vor.u32 v9, v15;
	v8 =	vor.u32 v8, v13;
	v10 =	vor.u32 v10, v0;
	v12 =	vld [tilespmem:s23+$0xFFFFFFD0]  }
0x1f5: {  	v11 =	vor.u32 v11, v1;
	v13 =	vld [tilespmem:s23+$0xFFFFFFE0];
	v0 =	vshrl.u32 v19, $0x6  }
0x1f6: {  	v1 =	vand.u32 $0x7F, v19;
	v14 =	vshll.u32 v19, $0x3;
	v15 =	vld [tilespmem:s23+$0xFFFFFFF0];
	v0 =	vand.u32 $0x380, v0  }
0x1f7: {  	v17 =	vshrl.u32 v2, $0x6;
	v14 =	vand.u32 $0xFC00, v14;
	v16 =	vld [tilespmem:s23+$0xFFFFFF90];
	v0 =	vor.u32 v1, v0  }
0x1f8: {  	v1 =	vshrl.u32 v3, $0x6;
	v18 =	vshrl.u32 v4, $0x6;
	v14 =	vor.u32 v14, v0;
	v19 =	vld.idx.msk [tilespmem:v7+s3+$0x0], $0xffff  }
0x1f9: {  	v20 =	vand.u32 $0x380, v17;
	v21 =	vand.u32 $0x380, v1;
	v0 =	vshrl.u32 v12, $0x6;
	v17 =	vld.idx.msk [tilespmem:v5+s3+$0x0], $0xffff  }
0x1fa: {  	v22 =	vand.u32 $0x380, v18;
	v23 =	vand.u32 $0x380, v0;
	v0 =	vshrl.u32 v13, $0x6;
	v18 =	vld.idx.msk [tilespmem:v6+s3+$0x0], $0xffff  }
0x1fb: {  	v24 =	vand.u32 $0x7F, v2;
	v0 =	vand.u32 $0x380, v0;
	v1 =	vshrl.u32 v15, $0x6;
	v25 =	vld.idx.msk [tilespmem:v9+s3+$0x0], $0xffff  }
0x1fc: {  	v26 =	vand.u32 $0x7F, v16;
	v5 =	vshrl.u32 v16, $0x6;
	v1 =	vand.u32 $0x380, v1;
	v27 =	vld.idx.msk [tilespmem:v8+s3+$0x0], $0xffff  }
0x1fd: {  	v7 =	vshll.u32 v16, $0x3;
	v28 =	vand.u32 $0x380, v5;
	v5 =	vshll.u32 v2, $0x3;
	v2 =	vld.idx.msk [tilespmem:v14+s3+$0x0], $0xffff  }
.Ltmp10:
0x1fe: {  	v29 =	vand.u32 $0x7F, v3;
	v30 =	vand.u32 $0x7F, v4;
	v6 =	vshll.u32 v3, $0x3;
	[tilespmem:s21+$0xFFFFFF90] =	vst v19;
	v3 =	vld.idx.msk [tilespmem:v10+s3+$0x0], $0xffff;
	(pc) =	sbr.rel @p0 .LBB2_22-.Ltmp10, $4  }
0x1ff: {  	v9 =	vshll.u32 v4, $0x3;
	v8 =	vshll.u32 v12, $0x3;
	v19 =	vand.u32 $0x7F, v12;
	[tilespmem:s21+$0xFFFFFFA0] =	vst v17;
	v4 =	vld.idx.msk [tilespmem:v11+s3+$0x0], $0xffff  }
0x200: {  	v16 =	vand.u32 $0x7F, v13;
	v10 =	vshll.u32 v13, $0x3;
	v17 =	vand.u32 $0x7F, v15;
	[tilespmem:s21+$0xFFFFFFB0] =	vst v18  }
0x201: {  	v14 =	vor.u32 v26, v28;
	v12 =	vor.u32 v24, v20;
	v11 =	vshll.u32 v15, $0x3;
	[tilespmem:s21+$0xFFFFFFC0] =	vst v25  }
0x202: {  	s23 =	sadd.s32 $0x80, s23;
	v15 =	vor.u32 v30, v22;
	v13 =	vor.u32 v19, v23;
	v18 =	vor.u32 v29, v21;
	s21 =	sadd.s32 $0x100, s21;
	[tilespmem:s20+$0xFFFFFFD0] =	vst v27  }
0x203: {  	v7 =	vand.u32 $0xFC00, v7  }
0x204: {  	v5 =	vand.u32 $0xFC00, v5;
	v7 =	vor.u32 v7, v14  }
0x205: {  	v6 =	vand.u32 $0xFC00, v6;
	v5 =	vor.u32 v5, v12  }
0x206: {  	v9 =	vand.u32 $0xFC00, v9;
	v6 =	vor.u32 v6, v18  }
0x207: {  	v8 =	vand.u32 $0xFC00, v8;
	v9 =	vor.u32 v9, v15  }
0x208: {  	v0 =	vor.u32 v16, v0;
	v10 =	vand.u32 $0xFC00, v10;
	v8 =	vor.u32 v8, v13  }
0x209: {  	v1 =	vor.u32 v17, v1;
	v11 =	vand.u32 $0xFC00, v11;
	v0 =	vor.u32 v10, v0;
	v7 =	vld.idx.msk [tilespmem:v7+s3+$0x0], $0xffff  }
0x20a: {  	v1 =	vor.u32 v11, v1;
	v5 =	vld.idx.msk [tilespmem:v5+s3+$0x0], $0xffff  }
0x20b: {  	[tilespmem:s21+$0x0] =	vst v2;
	v61 =	vld.idx.msk [tilespmem:v6+s3+$0x0], $0xffff  }
0x20c: {  	[tilespmem:s20+$0xFFFFFFE0] =	vst v3;
	v62 =	vld.idx.msk [tilespmem:v9+s3+$0x0], $0xffff  }
0x20d: {  	[tilespmem:s20+$0xFFFFFFF0] =	vst v4;
	v63 =	vld.idx.msk [tilespmem:v8+s3+$0x0], $0xffff  }
0x20e: {  	v0 =	vld.idx.msk [tilespmem:v0+s3+$0x0], $0xffff;
	[tilespmem:s21+$0xFFFFFF90] =	vst v7  }
0x20f: {  	v1 =	vld.idx.msk [tilespmem:v1+s3+$0x0], $0xffff;
	[tilespmem:s21+$0xFFFFFFA0] =	vst v5  }
0x210: {  	[tilespmem:s21+$0xFFFFFFB0] =	vst v61  }
0x211: {  	[tilespmem:s21+$0xFFFFFFC0] =	vst v62  }
0x212: {  	[tilespmem:s21+$0xFFFFFFD0] =	vst v63  }
0x213: {  	s23 =	sadd.s32 $0x0, s11;
	[tilespmem:s21+$0xFFFFFFE0] =	vst v0  }
0x214: {  	s22 =	simm.s32 $0x1C980;
	s20 =	simm.s32 $0x1C880;
	[tilespmem:s21+$0xFFFFFFF0] =	vst v1;
	s21 =	simm.s32 $0x80  }
.LBB2_24:
0x215: {  	[hbm4b:s23+s3] =	stream.linear.scatter [tilespmem:s20], [sflag:$0x3], $0x80, $0x38;
	[tilespmem:$0x1E800] =	vst v63  }
0x216: {  	s23 =	smov.u32 s21;
	s20 =	smov.u32 s22;
	p0 =	sne.s32 s21, $0xF80  }
.Ltmp11:
0x217: {  	s21 =	sadd.s32 $0x80, s21;
	(pc) =	sbr.rel @p0 .LBB2_24-.Ltmp11, $2  }
0x218: {  	_ =	sdelay $0x2  }
0x219: {  	s22 =	sadd.s32 $0x100, s22;
	s23 =	sadd.s32 s23, s11  }
0x21a: {  	[hbm4b:s23+s3] =	stream.linear.scatter [tilespmem:s20], [sflag:$0x3], $0x80, $0x38;
	[tilespmem:$0x1E800] =	vst v63  }
0x21b: {  	_ =	swait.ge [sflag:s18], $0x1000  }
0x21c: {  	[sflag:s18] =	ssyncset.done $0x0  }
0x21d: {  	s30 =	simm.s32 $0x1A870;
	[sflag:s18] =	ssyncadd.s32 $0xFFFFF000  }
0x21e: {  	v0 =	vld [tilespmem:s30+$0x0]  }
0x21f: {  	v1 =	vld [tilespmem:s30+$0xFFFFFFA0]  }
0x220: {  	v3 =	vld [tilespmem:s30+$0xFFFFFFC0]  }
0x221: {  	v5 =	vld [tilespmem:s30+$0xFFFFFFE0]  }
0x222: {  	v7 =	vld [tilespmem:s30+$0xFFFFFFF0]  }
0x223: {  	v9 =	vld [tilespmem:s30+$0xFFFFFF90];
	_ =	sdelay $0x1  }
0x224: {  	v2 =	vld [tilespmem:s30+$0xFFFFFFB0]  }
0x225: {  	v4 =	vld [tilespmem:s30+$0xFFFFFFD0];
	v6 =	vshrl.u32 v0, $0x6;
	v8 =	vand.u32 $0x7F, v0;
	v0 =	vshll.u32 v0, $0x3  }
0x226: {  	v10 =	vshrl.u32 v1, $0x6;
	v11 =	vshrl.u32 v3, $0x6;
	v12 =	vshrl.u32 v5, $0x6  }
0x227: {  	v13 =	vand.u32 $0x7F, v1;
	v14 =	vshrl.u32 v7, $0x6;
	v15 =	vand.u32 $0x7F, v9  }
0x228: {  	v16 =	vshrl.u32 v9, $0x6;
	v9 =	vshll.u32 v9, $0x3;
	v1 =	vshll.u32 v1, $0x3  }
0x229: {  	v17 =	vand.u32 $0x7F, v2;
	v18 =	vand.u32 $0x7F, v3;
	v3 =	vshll.u32 v3, $0x3  }
0x22a: {  	v19 =	vand.u32 $0x7F, v4;
	v20 =	vand.u32 $0x7F, v5;
	v5 =	vshll.u32 v5, $0x3  }
0x22b: {  	v21 =	vand.u32 $0x7F, v7;
	v7 =	vshll.u32 v7, $0x3;
	v6 =	vand.u32 $0x380, v6  }
0x22c: {  	v0 =	vand.u32 $0xFC00, v0;
	v11 =	vand.u32 $0x380, v11;
	v12 =	vand.u32 $0x380, v12  }
0x22d: {  	v14 =	vand.u32 $0x380, v14;
	v16 =	vand.u32 $0x380, v16;
	v9 =	vand.u32 $0xFC00, v9  }
0x22e: {  	s31 =	simm.s32 $0x1A8F0;
	v1 =	vand.u32 $0xFC00, v1;
	v3 =	vand.u32 $0xFC00, v3;
	v5 =	vand.u32 $0xFC00, v5  }
0x22f: {  	v7 =	vand.u32 $0xFC00, v7;
	v6 =	vor.u32 v8, v6;
	v15 =	vor.u32 v15, v16;
	v16 =	vld [tilespmem:s31+$0xFFFFFFA0]  }
0x230: {  	v8 =	vshrl.u32 v2, $0x6;
	v2 =	vshll.u32 v2, $0x3;
	v11 =	vor.u32 v18, v11;
	v18 =	vld [tilespmem:s31+$0xFFFFFFC0]  }
0x231: {  	v0 =	vor.u32 v0, v6;
	v9 =	vor.u32 v9, v15;
	v3 =	vor.u32 v3, v11;
	v11 =	vld [tilespmem:s31+$0xFFFFFFE0]  }
0x232: {  	v6 =	vand.u32 $0x380, v10;
	v8 =	vand.u32 $0x380, v8;
	v10 =	vshrl.u32 v4, $0x6;
	v15 =	vld [tilespmem:s31+$0xFFFFFFF0]  }
0x233: {  	v4 =	vshll.u32 v4, $0x3;
	v2 =	vand.u32 $0xFC00, v2;
	v6 =	vor.u32 v13, v6;
	v13 =	vld [tilespmem:s31+$0x0]  }
0x234: {  	v10 =	vand.u32 $0x380, v10;
	v8 =	vor.u32 v17, v8;
	v17 =	vld [tilespmem:s31+$0xFFFFFFB0];
	v1 =	vor.u32 v1, v6  }
0x235: {  	v4 =	vand.u32 $0xFC00, v4;
	v10 =	vor.u32 v19, v10;
	v2 =	vor.u32 v2, v8;
	v8 =	vld [tilespmem:s31+$0xFFFFFFD0]  }
0x236: {  	v12 =	vor.u32 v20, v12;
	v14 =	vor.u32 v21, v14;
	v4 =	vor.u32 v4, v10;
	v9 =	vld.idx.msk [tilespmem:v9+s3+$0x0], $0xffff  }
0x237: {  	v10 =	vor.u32 v5, v12;
	v12 =	vor.u32 v7, v14;
	v14 =	vshrl.u32 v16, $0x6;
	v26 =	vld.idx.msk [tilespmem:v3+s3+$0x0], $0xffff  }
0x238: {  	v5 =	vshrl.u32 v13, $0x6;
	v6 =	vand.u32 $0x7F, v13;
	v7 =	vshll.u32 v13, $0x3;
	v13 =	vld [tilespmem:s31+$0xFFFFFF90]  }
0x239: {  	v19 =	vshrl.u32 v18, $0x6;
	v63 =	vand.u32 $0x380, v14;
	v5 =	vand.u32 $0x380, v5;
	v14 =	vld.idx.msk [tilespmem:v1+s3+$0x0], $0xffff  }
0x23a: {  	v25 =	vand.u32 $0x7F, v16;
	v7 =	vand.u32 $0xFC00, v7;
	v5 =	vor.u32 v6, v5;
	v6 =	vld.idx.msk [tilespmem:v0+s3+$0x0], $0xffff  }
0x23b: {  	v30 =	vand.u32 $0x7F, v18;
	v19 =	vand.u32 $0x380, v19;
	v28 =	vld.idx.msk [tilespmem:v4+s3+$0x0], $0xffff;
	v20 =	vor.u32 v7, v5  }
0x23c: {  	v29 =	vand.u32 $0x7F, v17;
	v1 =	vshrl.u32 v15, $0x6;
	v0 =	vshrl.u32 v17, $0x6;
	v3 =	vld.idx.msk [tilespmem:v10+s3+$0x0], $0xffff  }
0x23d: {  	v1 =	vand.u32 $0x380, v1;
	v10 =	vshll.u32 v11, $0x3;
	v4 =	vld.idx.msk [tilespmem:v12+s3+$0x0], $0xffff;
	v12 =	vor.u32 v25, v63  }
0x23e: {  	s20 =	simm.s32 $0x1C840;
	v24 =	vld.idx.msk [tilespmem:v2+s3+$0x0], $0xffff;
	v22 =	vand.u32 $0x380, v0;
	v0 =	vshrl.u32 v8, $0x6;
	v5 =	vshll.u32 v16, $0x3  }
0x23f: {  	v16 =	vand.u32 $0x7F, v11;
	v23 =	vand.u32 $0x380, v0;
	[tilespmem:s20+$0xFFFFFFC0] =	vst v9;
	v2 =	vshrl.u32 v13, $0x6  }
0x240: {  	[tilespmem:s20+$0xFFFFFFF0] =	vst v26;
	v27 =	vand.u32 $0x7F, v13;
	v7 =	vshll.u32 v13, $0x3;
	v13 =	vand.u32 $0x380, v2;
	v2 =	vld.idx.msk [tilespmem:v20+s3+$0x0], $0xffff  }
0x241: {  	v0 =	vshrl.u32 v11, $0x6;
	v9 =	vshll.u32 v18, $0x3;
	v11 =	vshll.u32 v15, $0x3;
	[tilespmem:s20+$0xFFFFFFD0] =	vst v14  }
0x242: {  	v18 =	vor.u32 v29, v22;
	v0 =	vand.u32 $0x380, v0;
	[tilespmem:s20+$0x30] =	vst v6;
	v6 =	vshll.u32 v17, $0x3  }
0x243: {  	[tilespmem:s20+$0xFFFFFFE0] =	vst v24;
	v17 =	vand.u32 $0x7F, v15;
	v14 =	vor.u32 v27, v13;
	v20 =	vand.u32 $0x7F, v8  }
0x244: {  	s22 =	simm.s32 $0x8;
	s23 =	simm.s32 $0x1A970;
	s21 =	simm.s32 $0x1C940;
	v15 =	vor.u32 v30, v19;
	[tilespmem:s20+$0x0] =	vst v28;
	v8 =	vshll.u32 v8, $0x3;
	v13 =	vor.u32 v20, v23  }
.LBB2_26:
0x245: {  	v19 =	vld [tilespmem:s23+$0x0];
	s22 =	sadd.s32 $0x8, s22;
	v7 =	vand.u32 $0xFC00, v7;
	v0 =	vor.u32 v16, v0;
	v1 =	vor.u32 v17, v1;
	[tilespmem:s21+$0x30] =	vst v2  }
0x246: {  	v5 =	vand.u32 $0xFC00, v5;
	v6 =	vand.u32 $0xFC00, v6;
	v9 =	vand.u32 $0xFC00, v9;
	v2 =	vld [tilespmem:s23+$0xFFFFFFA0];
	p0 =	slt.u32 s22, $0xF8;
	[tilespmem:s20+$0x10] =	vst v3  }
0x247: {  	v8 =	vand.u32 $0xFC00, v8;
	v10 =	vand.u32 $0xFC00, v10;
	v11 =	vand.u32 $0xFC00, v11;
	v3 =	vld [tilespmem:s23+$0xFFFFFFB0];
	[tilespmem:s20+$0x20] =	vst v4;
	s20 =	smov.u32 s21  }
0x248: {  	v7 =	vor.u32 v7, v14;
	v5 =	vor.u32 v5, v12;
	v6 =	vor.u32 v6, v18;
	v4 =	vld [tilespmem:s23+$0xFFFFFFC0]  }
0x249: {  	v9 =	vor.u32 v9, v15;
	v8 =	vor.u32 v8, v13;
	v10 =	vor.u32 v10, v0;
	v12 =	vld [tilespmem:s23+$0xFFFFFFD0]  }
0x24a: {  	v11 =	vor.u32 v11, v1;
	v13 =	vld [tilespmem:s23+$0xFFFFFFE0];
	v0 =	vshrl.u32 v19, $0x6  }
0x24b: {  	v1 =	vand.u32 $0x7F, v19;
	v14 =	vshll.u32 v19, $0x3;
	v15 =	vld [tilespmem:s23+$0xFFFFFFF0];
	v0 =	vand.u32 $0x380, v0  }
0x24c: {  	v17 =	vshrl.u32 v2, $0x6;
	v14 =	vand.u32 $0xFC00, v14;
	v16 =	vld [tilespmem:s23+$0xFFFFFF90];
	v0 =	vor.u32 v1, v0  }
0x24d: {  	v1 =	vshrl.u32 v3, $0x6;
	v18 =	vshrl.u32 v4, $0x6;
	v14 =	vor.u32 v14, v0;
	v19 =	vld.idx.msk [tilespmem:v7+s3+$0x0], $0xffff  }
0x24e: {  	v20 =	vand.u32 $0x380, v17;
	v21 =	vand.u32 $0x380, v1;
	v0 =	vshrl.u32 v12, $0x6;
	v17 =	vld.idx.msk [tilespmem:v5+s3+$0x0], $0xffff  }
0x24f: {  	v22 =	vand.u32 $0x380, v18;
	v23 =	vand.u32 $0x380, v0;
	v0 =	vshrl.u32 v13, $0x6;
	v18 =	vld.idx.msk [tilespmem:v6+s3+$0x0], $0xffff  }
0x250: {  	v24 =	vand.u32 $0x7F, v2;
	v0 =	vand.u32 $0x380, v0;
	v1 =	vshrl.u32 v15, $0x6;
	v25 =	vld.idx.msk [tilespmem:v9+s3+$0x0], $0xffff  }
0x251: {  	v26 =	vand.u32 $0x7F, v16;
	v5 =	vshrl.u32 v16, $0x6;
	v1 =	vand.u32 $0x380, v1;
	v27 =	vld.idx.msk [tilespmem:v8+s3+$0x0], $0xffff  }
0x252: {  	v7 =	vshll.u32 v16, $0x3;
	v28 =	vand.u32 $0x380, v5;
	v5 =	vshll.u32 v2, $0x3;
	v2 =	vld.idx.msk [tilespmem:v14+s3+$0x0], $0xffff  }
.Ltmp12:
0x253: {  	v29 =	vand.u32 $0x7F, v3;
	v30 =	vand.u32 $0x7F, v4;
	v6 =	vshll.u32 v3, $0x3;
	[tilespmem:s21+$0xFFFFFFC0] =	vst v19;
	v3 =	vld.idx.msk [tilespmem:v10+s3+$0x0], $0xffff;
	(pc) =	sbr.rel @p0 .LBB2_26-.Ltmp12, $4  }
0x254: {  	v9 =	vshll.u32 v4, $0x3;
	v8 =	vshll.u32 v12, $0x3;
	v19 =	vand.u32 $0x7F, v12;
	[tilespmem:s21+$0xFFFFFFD0] =	vst v17;
	v4 =	vld.idx.msk [tilespmem:v11+s3+$0x0], $0xffff  }
0x255: {  	v16 =	vand.u32 $0x7F, v13;
	v10 =	vshll.u32 v13, $0x3;
	v17 =	vand.u32 $0x7F, v15;
	[tilespmem:s21+$0xFFFFFFE0] =	vst v18  }
0x256: {  	v14 =	vor.u32 v26, v28;
	v12 =	vor.u32 v24, v20;
	v11 =	vshll.u32 v15, $0x3;
	[tilespmem:s21+$0xFFFFFFF0] =	vst v25  }
0x257: {  	s23 =	sadd.s32 $0x80, s23;
	v15 =	vor.u32 v30, v22;
	v13 =	vor.u32 v19, v23;
	v18 =	vor.u32 v29, v21;
	s21 =	sadd.s32 $0x100, s21;
	[tilespmem:s20+$0x0] =	vst v27  }
0x258: {  	v7 =	vand.u32 $0xFC00, v7  }
0x259: {  	v5 =	vand.u32 $0xFC00, v5;
	v7 =	vor.u32 v7, v14  }
0x25a: {  	v6 =	vand.u32 $0xFC00, v6;
	v5 =	vor.u32 v5, v12  }
0x25b: {  	v9 =	vand.u32 $0xFC00, v9;
	v6 =	vor.u32 v6, v18  }
0x25c: {  	v8 =	vand.u32 $0xFC00, v8;
	v9 =	vor.u32 v9, v15  }
0x25d: {  	v0 =	vor.u32 v16, v0;
	v10 =	vand.u32 $0xFC00, v10;
	v8 =	vor.u32 v8, v13  }
0x25e: {  	v1 =	vor.u32 v17, v1;
	v11 =	vand.u32 $0xFC00, v11;
	v0 =	vor.u32 v10, v0;
	v7 =	vld.idx.msk [tilespmem:v7+s3+$0x0], $0xffff  }
0x25f: {  	v1 =	vor.u32 v11, v1;
	v5 =	vld.idx.msk [tilespmem:v5+s3+$0x0], $0xffff  }
0x260: {  	[tilespmem:s21+$0x30] =	vst v2;
	v61 =	vld.idx.msk [tilespmem:v6+s3+$0x0], $0xffff  }
0x261: {  	[tilespmem:s20+$0x10] =	vst v3;
	v62 =	vld.idx.msk [tilespmem:v9+s3+$0x0], $0xffff  }
0x262: {  	[tilespmem:s20+$0x20] =	vst v4;
	v63 =	vld.idx.msk [tilespmem:v8+s3+$0x0], $0xffff  }
0x263: {  	v0 =	vld.idx.msk [tilespmem:v0+s3+$0x0], $0xffff;
	[tilespmem:s21+$0xFFFFFFC0] =	vst v7  }
0x264: {  	v1 =	vld.idx.msk [tilespmem:v1+s3+$0x0], $0xffff;
	[tilespmem:s21+$0xFFFFFFD0] =	vst v5  }
0x265: {  	[tilespmem:s21+$0xFFFFFFE0] =	vst v61  }
0x266: {  	[tilespmem:s21+$0xFFFFFFF0] =	vst v62  }
0x267: {  	[tilespmem:s21+$0x0] =	vst v63  }
0x268: {  	s23 =	sadd.s32 $0x0, s12;
	[tilespmem:s21+$0x10] =	vst v0  }
0x269: {  	s22 =	simm.s32 $0x1C900;
	s20 =	simm.s32 $0x1C800;
	[tilespmem:s21+$0x20] =	vst v1;
	s21 =	simm.s32 $0x80  }
.LBB2_28:
0x26a: {  	[hbm4b:s23+s3] =	stream.linear.scatter [tilespmem:s20], [sflag:$0x3], $0x80, $0x38;
	[tilespmem:$0x1E800] =	vst v63  }
0x26b: {  	s23 =	smov.u32 s21;
	s20 =	smov.u32 s22;
	p0 =	sne.s32 s21, $0xF80  }
.Ltmp13:
0x26c: {  	s21 =	sadd.s32 $0x80, s21;
	(pc) =	sbr.rel @p0 .LBB2_28-.Ltmp13, $2  }
0x26d: {  	_ =	sdelay $0x2  }
0x26e: {  	s22 =	sadd.s32 $0x100, s22;
	s23 =	sadd.s32 s23, s12  }
0x26f: {  	[hbm4b:s23+s3] =	stream.linear.scatter [tilespmem:s20], [sflag:$0x3], $0x80, $0x38;
	[tilespmem:$0x1E800] =	vst v63  }
0x270: {  	_ =	swait.ge [sflag:s18], $0x1000  }
0x271: {  	[sflag:s18] =	ssyncset.done $0x0  }
0x272: {  	s30 =	simm.s32 $0x1B870;
	[sflag:s18] =	ssyncadd.s32 $0xFFFFF000  }
0x273: {  	v0 =	vld [tilespmem:s30+$0x0]  }
0x274: {  	v1 =	vld [tilespmem:s30+$0xFFFFFFA0]  }
0x275: {  	v3 =	vld [tilespmem:s30+$0xFFFFFFC0]  }
0x276: {  	v5 =	vld [tilespmem:s30+$0xFFFFFFE0]  }
0x277: {  	v7 =	vld [tilespmem:s30+$0xFFFFFFF0]  }
0x278: {  	v9 =	vld [tilespmem:s30+$0xFFFFFF90];
	_ =	sdelay $0x1  }
0x279: {  	v2 =	vld [tilespmem:s30+$0xFFFFFFB0]  }
0x27a: {  	v4 =	vld [tilespmem:s30+$0xFFFFFFD0];
	v6 =	vshrl.u32 v0, $0x6;
	v8 =	vand.u32 $0x7F, v0;
	v0 =	vshll.u32 v0, $0x3  }
0x27b: {  	v10 =	vshrl.u32 v1, $0x6;
	v11 =	vshrl.u32 v3, $0x6;
	v12 =	vshrl.u32 v5, $0x6  }
0x27c: {  	v13 =	vand.u32 $0x7F, v1;
	v14 =	vshrl.u32 v7, $0x6;
	v15 =	vand.u32 $0x7F, v9  }
0x27d: {  	v16 =	vshrl.u32 v9, $0x6;
	v9 =	vshll.u32 v9, $0x3;
	v1 =	vshll.u32 v1, $0x3  }
0x27e: {  	v17 =	vand.u32 $0x7F, v2;
	v18 =	vand.u32 $0x7F, v3;
	v3 =	vshll.u32 v3, $0x3  }
0x27f: {  	v19 =	vand.u32 $0x7F, v4;
	v20 =	vand.u32 $0x7F, v5;
	v5 =	vshll.u32 v5, $0x3  }
0x280: {  	v21 =	vand.u32 $0x7F, v7;
	v7 =	vshll.u32 v7, $0x3;
	v6 =	vand.u32 $0x380, v6  }
0x281: {  	v0 =	vand.u32 $0xFC00, v0;
	v11 =	vand.u32 $0x380, v11;
	v12 =	vand.u32 $0x380, v12  }
0x282: {  	v14 =	vand.u32 $0x380, v14;
	v16 =	vand.u32 $0x380, v16;
	v9 =	vand.u32 $0xFC00, v9  }
0x283: {  	s31 =	simm.s32 $0x1B8F0;
	v1 =	vand.u32 $0xFC00, v1;
	v3 =	vand.u32 $0xFC00, v3;
	v5 =	vand.u32 $0xFC00, v5  }
0x284: {  	v7 =	vand.u32 $0xFC00, v7;
	v6 =	vor.u32 v8, v6;
	v15 =	vor.u32 v15, v16;
	v16 =	vld [tilespmem:s31+$0xFFFFFFA0]  }
0x285: {  	v8 =	vshrl.u32 v2, $0x6;
	v2 =	vshll.u32 v2, $0x3;
	v11 =	vor.u32 v18, v11;
	v18 =	vld [tilespmem:s31+$0xFFFFFFC0]  }
0x286: {  	v0 =	vor.u32 v0, v6;
	v9 =	vor.u32 v9, v15;
	v3 =	vor.u32 v3, v11;
	v11 =	vld [tilespmem:s31+$0xFFFFFFE0]  }
0x287: {  	v6 =	vand.u32 $0x380, v10;
	v8 =	vand.u32 $0x380, v8;
	v10 =	vshrl.u32 v4, $0x6;
	v15 =	vld [tilespmem:s31+$0xFFFFFFF0]  }
0x288: {  	v4 =	vshll.u32 v4, $0x3;
	v2 =	vand.u32 $0xFC00, v2;
	v6 =	vor.u32 v13, v6;
	v13 =	vld [tilespmem:s31+$0x0]  }
0x289: {  	v10 =	vand.u32 $0x380, v10;
	v8 =	vor.u32 v17, v8;
	v17 =	vld [tilespmem:s31+$0xFFFFFFB0];
	v1 =	vor.u32 v1, v6  }
0x28a: {  	v4 =	vand.u32 $0xFC00, v4;
	v10 =	vor.u32 v19, v10;
	v2 =	vor.u32 v2, v8;
	v8 =	vld [tilespmem:s31+$0xFFFFFFD0]  }
0x28b: {  	v12 =	vor.u32 v20, v12;
	v14 =	vor.u32 v21, v14;
	v4 =	vor.u32 v4, v10;
	v9 =	vld.idx.msk [tilespmem:v9+s3+$0x0], $0xffff  }
0x28c: {  	v10 =	vor.u32 v5, v12;
	v12 =	vor.u32 v7, v14;
	v14 =	vshrl.u32 v16, $0x6;
	v26 =	vld.idx.msk [tilespmem:v3+s3+$0x0], $0xffff  }
0x28d: {  	v5 =	vshrl.u32 v13, $0x6;
	v6 =	vand.u32 $0x7F, v13;
	v7 =	vshll.u32 v13, $0x3;
	v13 =	vld [tilespmem:s31+$0xFFFFFF90]  }
0x28e: {  	v19 =	vshrl.u32 v18, $0x6;
	v63 =	vand.u32 $0x380, v14;
	v5 =	vand.u32 $0x380, v5;
	v14 =	vld.idx.msk [tilespmem:v1+s3+$0x0], $0xffff  }
0x28f: {  	v25 =	vand.u32 $0x7F, v16;
	v7 =	vand.u32 $0xFC00, v7;
	v5 =	vor.u32 v6, v5;
	v6 =	vld.idx.msk [tilespmem:v0+s3+$0x0], $0xffff  }
0x290: {  	v30 =	vand.u32 $0x7F, v18;
	v19 =	vand.u32 $0x380, v19;
	v28 =	vld.idx.msk [tilespmem:v4+s3+$0x0], $0xffff;
	v20 =	vor.u32 v7, v5  }
0x291: {  	v29 =	vand.u32 $0x7F, v17;
	v1 =	vshrl.u32 v15, $0x6;
	v0 =	vshrl.u32 v17, $0x6;
	v3 =	vld.idx.msk [tilespmem:v10+s3+$0x0], $0xffff  }
0x292: {  	v1 =	vand.u32 $0x380, v1;
	v10 =	vshll.u32 v11, $0x3;
	v4 =	vld.idx.msk [tilespmem:v12+s3+$0x0], $0xffff;
	v12 =	vor.u32 v25, v63  }
0x293: {  	s20 =	simm.s32 $0x1C8F0;
	v24 =	vld.idx.msk [tilespmem:v2+s3+$0x0], $0xffff;
	v22 =	vand.u32 $0x380, v0;
	v0 =	vshrl.u32 v8, $0x6;
	v5 =	vshll.u32 v16, $0x3  }
0x294: {  	v16 =	vand.u32 $0x7F, v11;
	v23 =	vand.u32 $0x380, v0;
	[tilespmem:s20+$0xFFFFFF90] =	vst v9;
	v2 =	vshrl.u32 v13, $0x6  }
0x295: {  	[tilespmem:s20+$0xFFFFFFC0] =	vst v26;
	v27 =	vand.u32 $0x7F, v13;
	v7 =	vshll.u32 v13, $0x3;
	v13 =	vand.u32 $0x380, v2;
	v2 =	vld.idx.msk [tilespmem:v20+s3+$0x0], $0xffff  }
0x296: {  	v0 =	vshrl.u32 v11, $0x6;
	v9 =	vshll.u32 v18, $0x3;
	v11 =	vshll.u32 v15, $0x3;
	[tilespmem:s20+$0xFFFFFFA0] =	vst v14  }
0x297: {  	v18 =	vor.u32 v29, v22;
	v0 =	vand.u32 $0x380, v0;
	[tilespmem:s20+$0x0] =	vst v6;
	v6 =	vshll.u32 v17, $0x3  }
0x298: {  	[tilespmem:s20+$0xFFFFFFB0] =	vst v24;
	v17 =	vand.u32 $0x7F, v15;
	v14 =	vor.u32 v27, v13;
	v20 =	vand.u32 $0x7F, v8  }
0x299: {  	s22 =	simm.s32 $0x8;
	s23 =	simm.s32 $0x1B970;
	s21 =	simm.s32 $0x1C9F0;
	v15 =	vor.u32 v30, v19;
	[tilespmem:s20+$0xFFFFFFD0] =	vst v28;
	v8 =	vshll.u32 v8, $0x3;
	v13 =	vor.u32 v20, v23  }
.LBB2_30:
0x29a: {  	v19 =	vld [tilespmem:s23+$0x0];
	s22 =	sadd.s32 $0x8, s22;
	v7 =	vand.u32 $0xFC00, v7;
	v0 =	vor.u32 v16, v0;
	v1 =	vor.u32 v17, v1;
	[tilespmem:s21+$0x0] =	vst v2  }
0x29b: {  	v5 =	vand.u32 $0xFC00, v5;
	v6 =	vand.u32 $0xFC00, v6;
	v9 =	vand.u32 $0xFC00, v9;
	v2 =	vld [tilespmem:s23+$0xFFFFFFA0];
	p0 =	slt.u32 s22, $0xF8;
	[tilespmem:s20+$0xFFFFFFE0] =	vst v3  }
0x29c: {  	v8 =	vand.u32 $0xFC00, v8;
	v10 =	vand.u32 $0xFC00, v10;
	v11 =	vand.u32 $0xFC00, v11;
	v3 =	vld [tilespmem:s23+$0xFFFFFFB0];
	[tilespmem:s20+$0xFFFFFFF0] =	vst v4;
	s20 =	smov.u32 s21  }
0x29d: {  	v7 =	vor.u32 v7, v14;
	v5 =	vor.u32 v5, v12;
	v6 =	vor.u32 v6, v18;
	v4 =	vld [tilespmem:s23+$0xFFFFFFC0]  }
0x29e: {  	v9 =	vor.u32 v9, v15;
	v8 =	vor.u32 v8, v13;
	v10 =	vor.u32 v10, v0;
	v12 =	vld [tilespmem:s23+$0xFFFFFFD0]  }
0x29f: {  	v11 =	vor.u32 v11, v1;
	v13 =	vld [tilespmem:s23+$0xFFFFFFE0];
	v0 =	vshrl.u32 v19, $0x6  }
0x2a0: {  	v1 =	vand.u32 $0x7F, v19;
	v14 =	vshll.u32 v19, $0x3;
	v15 =	vld [tilespmem:s23+$0xFFFFFFF0];
	v0 =	vand.u32 $0x380, v0  }
0x2a1: {  	v17 =	vshrl.u32 v2, $0x6;
	v14 =	vand.u32 $0xFC00, v14;
	v16 =	vld [tilespmem:s23+$0xFFFFFF90];
	v0 =	vor.u32 v1, v0  }
0x2a2: {  	v1 =	vshrl.u32 v3, $0x6;
	v18 =	vshrl.u32 v4, $0x6;
	v14 =	vor.u32 v14, v0;
	v19 =	vld.idx.msk [tilespmem:v7+s3+$0x0], $0xffff  }
0x2a3: {  	v20 =	vand.u32 $0x380, v17;
	v21 =	vand.u32 $0x380, v1;
	v0 =	vshrl.u32 v12, $0x6;
	v17 =	vld.idx.msk [tilespmem:v5+s3+$0x0], $0xffff  }
0x2a4: {  	v22 =	vand.u32 $0x380, v18;
	v23 =	vand.u32 $0x380, v0;
	v0 =	vshrl.u32 v13, $0x6;
	v18 =	vld.idx.msk [tilespmem:v6+s3+$0x0], $0xffff  }
0x2a5: {  	v24 =	vand.u32 $0x7F, v2;
	v0 =	vand.u32 $0x380, v0;
	v1 =	vshrl.u32 v15, $0x6;
	v25 =	vld.idx.msk [tilespmem:v9+s3+$0x0], $0xffff  }
0x2a6: {  	v26 =	vand.u32 $0x7F, v16;
	v5 =	vshrl.u32 v16, $0x6;
	v1 =	vand.u32 $0x380, v1;
	v27 =	vld.idx.msk [tilespmem:v8+s3+$0x0], $0xffff  }
0x2a7: {  	v7 =	vshll.u32 v16, $0x3;
	v28 =	vand.u32 $0x380, v5;
	v5 =	vshll.u32 v2, $0x3;
	v2 =	vld.idx.msk [tilespmem:v14+s3+$0x0], $0xffff  }
.Ltmp14:
0x2a8: {  	v29 =	vand.u32 $0x7F, v3;
	v30 =	vand.u32 $0x7F, v4;
	v6 =	vshll.u32 v3, $0x3;
	[tilespmem:s21+$0xFFFFFF90] =	vst v19;
	v3 =	vld.idx.msk [tilespmem:v10+s3+$0x0], $0xffff;
	(pc) =	sbr.rel @p0 .LBB2_30-.Ltmp14, $4  }
0x2a9: {  	v9 =	vshll.u32 v4, $0x3;
	v8 =	vshll.u32 v12, $0x3;
	v19 =	vand.u32 $0x7F, v12;
	[tilespmem:s21+$0xFFFFFFA0] =	vst v17;
	v4 =	vld.idx.msk [tilespmem:v11+s3+$0x0], $0xffff  }
0x2aa: {  	v16 =	vand.u32 $0x7F, v13;
	v10 =	vshll.u32 v13, $0x3;
	v17 =	vand.u32 $0x7F, v15;
	[tilespmem:s21+$0xFFFFFFB0] =	vst v18  }
0x2ab: {  	v14 =	vor.u32 v26, v28;
	v12 =	vor.u32 v24, v20;
	v11 =	vshll.u32 v15, $0x3;
	[tilespmem:s21+$0xFFFFFFC0] =	vst v25  }
0x2ac: {  	s23 =	sadd.s32 $0x80, s23;
	v15 =	vor.u32 v30, v22;
	v13 =	vor.u32 v19, v23;
	v18 =	vor.u32 v29, v21;
	s21 =	sadd.s32 $0x100, s21;
	[tilespmem:s20+$0xFFFFFFD0] =	vst v27  }
0x2ad: {  	v7 =	vand.u32 $0xFC00, v7  }
0x2ae: {  	v5 =	vand.u32 $0xFC00, v5;
	v7 =	vor.u32 v7, v14  }
0x2af: {  	v6 =	vand.u32 $0xFC00, v6;
	v5 =	vor.u32 v5, v12  }
0x2b0: {  	v9 =	vand.u32 $0xFC00, v9;
	v6 =	vor.u32 v6, v18  }
0x2b1: {  	v8 =	vand.u32 $0xFC00, v8;
	v9 =	vor.u32 v9, v15  }
0x2b2: {  	v0 =	vor.u32 v16, v0;
	v10 =	vand.u32 $0xFC00, v10;
	v8 =	vor.u32 v8, v13  }
0x2b3: {  	v1 =	vor.u32 v17, v1;
	v11 =	vand.u32 $0xFC00, v11;
	v0 =	vor.u32 v10, v0;
	v7 =	vld.idx.msk [tilespmem:v7+s3+$0x0], $0xffff  }
0x2b4: {  	v1 =	vor.u32 v11, v1;
	v5 =	vld.idx.msk [tilespmem:v5+s3+$0x0], $0xffff  }
0x2b5: {  	[tilespmem:s21+$0x0] =	vst v2;
	v61 =	vld.idx.msk [tilespmem:v6+s3+$0x0], $0xffff  }
0x2b6: {  	[tilespmem:s20+$0xFFFFFFE0] =	vst v3;
	v62 =	vld.idx.msk [tilespmem:v9+s3+$0x0], $0xffff  }
0x2b7: {  	[tilespmem:s20+$0xFFFFFFF0] =	vst v4;
	v63 =	vld.idx.msk [tilespmem:v8+s3+$0x0], $0xffff  }
0x2b8: {  	v0 =	vld.idx.msk [tilespmem:v0+s3+$0x0], $0xffff;
	[tilespmem:s21+$0xFFFFFF90] =	vst v7  }
0x2b9: {  	v1 =	vld.idx.msk [tilespmem:v1+s3+$0x0], $0xffff;
	[tilespmem:s21+$0xFFFFFFA0] =	vst v5  }
0x2ba: {  	[tilespmem:s21+$0xFFFFFFB0] =	vst v61  }
0x2bb: {  	[tilespmem:s21+$0xFFFFFFC0] =	vst v62  }
0x2bc: {  	[tilespmem:s21+$0xFFFFFFD0] =	vst v63  }
0x2bd: {  	s23 =	sadd.s32 $0x0, s13;
	[tilespmem:s21+$0xFFFFFFE0] =	vst v0  }
0x2be: {  	s22 =	simm.s32 $0x1C980;
	s20 =	simm.s32 $0x1C880;
	[tilespmem:s21+$0xFFFFFFF0] =	vst v1;
	s21 =	simm.s32 $0x80  }
.LBB2_32:
0x2bf: {  	[hbm4b:s23+s3] =	stream.linear.scatter [tilespmem:s20], [sflag:$0x3], $0x80, $0x38;
	[tilespmem:$0x1E800] =	vst v63  }
0x2c0: {  	s23 =	smov.u32 s21;
	s20 =	smov.u32 s22;
	p0 =	sne.s32 s21, $0xF80  }
.Ltmp15:
0x2c1: {  	s21 =	sadd.s32 $0x80, s21;
	(pc) =	sbr.rel @p0 .LBB2_32-.Ltmp15, $2  }
0x2c2: {  	_ =	sdelay $0x2  }
0x2c3: {  	s22 =	sadd.s32 $0x100, s22;
	s23 =	sadd.s32 s23, s13  }
0x2c4: {  	[hbm4b:s23+s3] =	stream.linear.scatter [tilespmem:s20], [sflag:$0x3], $0x80, $0x38;
	[tilespmem:$0x1E800] =	vst v63  }
0x2c5: {  	s19 =	sadd.s32 $0x1, s19  }
0x2c6: {  	_ =	swait.ge [sflag:s18], $0x1000;
	p0 =	sne.s32 s19, s14  }
.Ltmp16:
0x2c7: {  	[sflag:s18] =	ssyncset.done $0x0;
	(pc) =	sbr.rel @p0 .LBB2_1-.Ltmp16, $4  }
0x2c8: {  	[sflag:s18] =	ssyncadd.s32 $0xFFFFF000  }
0x2c9: {  	_ =	swait.ge [sflag:s18], $0x1000  }
0x2ca: {  	[sflag:s18] =	ssyncset.done $0x0  }
0x2cb: {  	[sflag:s18] =	ssyncadd.s32 $0xFFFFF000  }
0x2cc: {  	_ =	sfence.sel $0x180000  }
0x2cd: {  	[bflag:$0x0] =	sbarrier.arrive $0xFFFF  }
0x2ce: {  	p0 =	sne.s32 s0, $0x0;
	_ =	strace $0x90000047  }
0x2cf: {  	s0 =	sadd.s32 @!p0 $0x100000, s2;
	[bflag:$0x2] =	sbarrier.arrive $0xFFFF  }
0x2d0: {  	[sflag:s0] =	ssyncadd.tile.s32 @!p0 $0x1;
	_ =	shalt  }
.Lfunc_end2:
_tile_overlayer_lowered:
.L_overlay_start_2:
0x2d1: {  	(tag) =	ssettag $0x2  }
0x2d2: {  	s0 =	rddreg [dreg:$0x0];
	s2 =	stileid.u32  }
0x2d3: {  	s1 =	rddreg [dreg:$0x1];
	p0 =	sne.s32 s2, $0x0  }
0x2d4: {  	s3 =	rddreg [dreg:$0x2];
	[bflag:$0x3] =	sbarrier.arrive $0xFFFF;
	s2 =	simm.s32 @!p0 $0x1C04  }
0x2d5: {  	[timem:s3], [sflag:s2] =	dma.local @!p0 [hbm:s0], s1  }
0x2d6: {  	s0 =	simm.s32 @!p0 $0x4  }
0x2d7: {  	_ =	swait.ge @!p0 [sflag:s0], s1  }
0x2d8: {  	s1 =	ssub.s32 @!p0 $0x0, s1;
	[sflag:s0] =	ssyncset.done @!p0 $0x0  }
0x2d9: {  	[sflag:s0] =	ssyncadd.s32 @!p0 s1  }
0x2da: {  	[bflag:$0x3] =	sbarrier.arrive $0xFFFF  }
0x2db: {  	_ =	shalt  }

</sc_bundles>
